<compile_context>
chip_gen: v7x
topology: tpu7x:2x2x1
jax: 0.10.2.dev20260603
libtpu: 0.0.44.dev20260713+nightly
codegen_flags: <defaults>
</compile_context>

<pallas_src>
import functools

import jax
import jax.numpy as jnp
from jax import lax
from jax.experimental import pallas as pl
from jax.experimental.pallas import tpu as pltpu
from jax.experimental.pallas import tpu_sc as plsc

_L = 16
_BIG = 1e6
_TAU = 32.0 / 1024.0
_STRIDE = 48
_RPB = 8
_INF_I = 2**30


def _greedy_body(dist_hbm, params_hbm, penalty_hbm, predinit_hbm, out_hbm,
                 sval, sidx, counts_v, vis_v, pred_v, row_v, prm_v, bufs,
                 sems):
    n = dist_hbm.shape[1]
    nchunks = n // _L
    nblk = n // _RPB
    c = lax.axis_index("c")
    s = lax.axis_index("s")
    b = s * 2 + c

    lanes = lax.iota(jnp.int32, _L)
    big_v = jnp.full((_L,), _BIG, jnp.float32)
    zero_iv = jnp.zeros((_L,), jnp.int32)

    pltpu.sync_copy(params_hbm.at[b], prm_v)
    prm = prm_v[...]
    start = jnp.max(jnp.where(lanes == 0, prm, 0))
    limit = jnp.max(jnp.where(lanes == 1, prm, 0))

    pltpu.sync_copy(penalty_hbm.at[b], vis_v)
    pltpu.sync_copy(predinit_hbm.at[b], pred_v)

    tau = jnp.float32(_TAU)
    pltpu.async_copy(dist_hbm.at[b, pl.ds(0, _RPB)], bufs.at[0], sems.at[0])

    @plsc.parallel_loop(0, n * _STRIDE // _L, unroll=8)
    def _prefill(k):
        sval[pl.ds(k * _L, _L)] = big_v
        sidx[pl.ds(k * _L, _L)] = zero_iv

    def blk2(g2, _):
        for half in range(2):
            g = g2 * 2 + half

            @pl.when(g + 1 < nblk)
            def _issue():
                pltpu.async_copy(
                    dist_hbm.at[b, pl.ds((g + 1) * _RPB, _RPB)],
                    bufs.at[1 - half], sems.at[1 - half])

            pltpu.make_async_copy(dist_hbm.at[b, pl.ds(g * _RPB, _RPB)],
                                  bufs.at[half], sems.at[half]).wait()

            def row(rr, _):
                rowid = g * _RPB + rr
                cb = rowid * _STRIDE
                base = jnp.full((_L,), cb - 1, jnp.uint32)
                cap = jnp.full((_L,), cb + _STRIDE - 1, jnp.uint32)

                ones_uv = jnp.ones((_L,), jnp.uint32)

                @plsc.parallel_loop(0, nchunks, unroll=8,
                                    carry=jnp.zeros((_L,), jnp.uint32))
                def woff_v(k, wv):
                    off = k * _L
                    v = bufs[half, rr, pl.ds(off, _L)]
                    m = v < tau
                    pfx = plsc.cumsum(ones_uv, mask=m)
                    pos = plsc.bitcast(jnp.minimum(base + wv + pfx, cap),
                                       jnp.int32)
                    plsc.store_scatter(sval, [pos], v, mask=m)
                    plsc.store_scatter(sidx, [pos], lanes + off, mask=m)
                    return wv + plsc.bitcast(
                        plsc.all_reduce_population_count(m), jnp.uint32)

                plsc.store_scatter(
                    counts_v, [jnp.full((_L,), rowid, jnp.int32)],
                    plsc.bitcast(woff_v, jnp.int32), mask=lanes == 0)
                return 0

            lax.fori_loop(0, _RPB, row, 0)
        return 0

    lax.fori_loop(0, nblk // 2, blk2, 0)

    def of_sweep(k, _):
        cnt = counts_v[pl.ds(k * _L, _L)]
        nof = plsc.all_reduce_population_count(cnt > _STRIDE)[0]

        @pl.when(nof > 0)
        def _fix():
            for l in range(_L):
                @pl.when(cnt[l] > _STRIDE)
                def _fill():
                    cb2 = (k * _L + l) * _STRIDE
                    for c3 in range(_STRIDE // _L):
                        sval[pl.ds(cb2 + c3 * _L, _L)] = big_v

        return 0

    lax.fori_loop(0, n // _L, of_sweep, 0)

    def step(j, point):
        cb = point * _STRIDE

        bv = jnp.full((_L,), _BIG, jnp.float32)
        bi = jnp.full((_L,), _INF_I, jnp.int32)
        for c2 in range(_STRIDE // _L):
            sv = sval[pl.ds(cb + c2 * _L, _L)]
            si = sidx[pl.ds(cb + c2 * _L, _L)]
            g = plsc.load_gather(vis_v, [si])
            v = sv + g
            lt = v < bv
            bv = jnp.where(lt, v, bv)
            bi = jnp.where(lt, si, bi)
        m = jnp.min(bv)
        idx_f = jnp.min(jnp.where(bv == m, bi, _INF_I))

        def fast():
            return idx_f

        def slow():
            pltpu.sync_copy(dist_hbm.at[b, point], row_v)

            @plsc.parallel_loop(0, nchunks, unroll=8,
                                carry=(jnp.full((_L,), 3e6, jnp.float32),
                                       jnp.zeros((_L,), jnp.int32)))
            def fcarry(k, carry):
                fv, fi = carry
                off = k * _L
                v = row_v[pl.ds(off, _L)]
                p = vis_v[pl.ds(off, _L)]
                v = jnp.where(p != 0.0, jnp.float32(_BIG), v)
                flt = v < fv
                return (jnp.where(flt, v, fv),
                        jnp.where(flt, lanes + off, fi))

            fv, fi = fcarry
            fm = jnp.min(fv)
            return jnp.min(jnp.where(fv == fm, fi, _INF_I))

        idx = lax.cond(idx_f < _INF_I, fast, slow)

        idx_vec = jnp.full((_L,), idx, jnp.int32)
        lane0 = lanes == 0
        plsc.store_scatter(vis_v, [idx_vec], big_v, mask=lane0)
        wr = jnp.logical_and(lane0, j < limit)
        plsc.store_scatter(pred_v, [jnp.full((_L,), j, jnp.int32)], idx_vec,
                           mask=wr)
        return idx

    lax.fori_loop(0, n, step, start, unroll=2)
    pltpu.sync_copy(pred_v, out_hbm.at[b])


def kernel(distance, mask, start_idx, pad_value):
    B, N, _ = distance.shape
    assert B == 32 and N % _L == 0 and N % _RPB == 0

    penalty = jnp.where(mask, jnp.float32(_BIG), jnp.float32(0.0))
    limit = (N - jnp.sum(mask.astype(jnp.int32), axis=1)).astype(jnp.int32)
    params = jnp.zeros((B, _L), jnp.int32)
    params = params.at[:, 0].set(start_idx.astype(jnp.int32))
    params = params.at[:, 1].set(limit)
    predinit = jnp.full((B, N), pad_value, jnp.int32)

    mesh = plsc.VectorSubcoreMesh(core_axis_name="c", subcore_axis_name="s")
    run = pl.kernel(
        _greedy_body,
        out_type=jax.ShapeDtypeStruct((B, N), jnp.int32),
        mesh=mesh,
        compiler_params=pltpu.CompilerParams(needs_layout_passes=False),
        scratch_types=[
            pltpu.VMEM((N * _STRIDE,), jnp.float32),
            pltpu.VMEM((N * _STRIDE,), jnp.int32),
            pltpu.VMEM((N,), jnp.int32),
            pltpu.VMEM((N,), jnp.float32),
            pltpu.VMEM((N,), jnp.int32),
            pltpu.VMEM((N,), jnp.float32),
            pltpu.VMEM((_L,), jnp.int32),
            pltpu.VMEM((2, _RPB, N), jnp.float32),
            pltpu.SemaphoreType.DMA((2,)),
        ],
    )
    preds = run(distance, params, penalty, predinit)
    return preds, limit

# --- scband reference (transcript-rebuilt; emitter-appended) ---
"""Pipeline reference for scband-distance-greedy-model-75694503624834 (READ-ONLY COPY).

The authoritative reference and input builder live on the scoring server;
editing this copy changes nothing except your own understanding.
"""

import jax, jax.numpy as jnp
import numpy as np


def setup_inputs(seed: int = 0) -> dict:
    key = jax.random.key(seed)
    k1, k2 = jax.random.split(key)
    B, N = 32, 1024
    distance = jax.random.uniform(k1, (B, N, N), dtype=jnp.float32)
    mask = jnp.zeros((B, N), dtype=bool)
    start_idx = jax.random.randint(k2, (B,), 0, N, dtype=jnp.int32)
    return {"distance": distance, "mask": mask, "start_idx": start_idx, "pad_value": -1}


def reference(distance, mask, start_idx, pad_value):
    B, N, _ = distance.shape

    def single(dis, msk0, start):
        pred0 = jnp.full((N,), pad_value, dtype=jnp.int32)

        def body(j, carry):
            msk, point, pred = carry
            done = jnp.all(msk)
            dis_j = jnp.where(msk, 1e6, dis[point])
            idx = jnp.argmin(dis_j).astype(jnp.int32)
            pred = pred.at[j].set(jnp.where(done, pred[j], idx))
            msk = msk.at[idx].set(jnp.where(done, msk[idx], True))
            point = jnp.where(done, point, idx).astype(jnp.int32)
            return (msk, point, pred)

        _, _, pred = jax.lax.fori_loop(0, N, body, (msk0, start.astype(jnp.int32), pred0))
        pred_len = (N - jnp.sum(msk0.astype(jnp.int32)))
        return pred, pred_len

    preds, lens = jax.vmap(single)(distance, mask, start_idx)
    return preds, lens

if __name__ == "__main__":
    import jax
    _d = setup_inputs()
    print(jax.jit(kernel)(*tuple(_d.values())))

</pallas_src>

<mosaic_0001>
#map = affine_map<(d0, d1) -> (0, 0, 0)>
#map1 = affine_map<(d0, d1) -> (0, 0)>
module attributes {stable_mosaic.version = 14 : i64} {
  func.func @_greedy_body(%arg0: i32, %arg1: i32, %arg2: memref<32x1024x1024xf32, #tpu.memory_space<hbm>>, %arg3: memref<32x16xi32, #tpu.memory_space<hbm>>, %arg4: memref<32x1024xf32, #tpu.memory_space<hbm>>, %arg5: memref<32x1024xi32, #tpu.memory_space<hbm>>, %arg6: memref<32x1024xi32, #tpu.memory_space<hbm>>, %arg7: memref<49152xf32, #tpu.memory_space<vmem>>, %arg8: memref<49152xi32, #tpu.memory_space<vmem>>, %arg9: memref<1024xi32, #tpu.memory_space<vmem>>, %arg10: memref<1024xf32, #tpu.memory_space<vmem>>, %arg11: memref<1024xi32, #tpu.memory_space<vmem>>, %arg12: memref<1024xf32, #tpu.memory_space<vmem>>, %arg13: memref<16xi32, #tpu.memory_space<vmem>>, %arg14: memref<2x8x1024xf32, #tpu.memory_space<vmem>>, %arg15: memref<2x!tpu.dma_semaphore, #tpu.memory_space<semaphore_mem>>) attributes {dimension_semantics = [#tpu.dimension_semantics<core_parallel>, #tpu.dimension_semantics<subcore_parallel>], iteration_bounds = array<i64: 2, 16>, scalar_prefetch = 0 : i64, scratch_operands = 9 : i64, tpu.core_type = #tpu.core_type<sc_vector_subcore>, window_params = [{transform_indices = #map}, {transform_indices = #map1}, {transform_indices = #map1}, {transform_indices = #map1}, {transform_indices = #map1}]} {
    %mul3A = arith.constant 2 : i32
    %mul3A_0 = arith.muli %arg1, %mul3A : i32
    %add3A = arith.addi %mul3A_0, %arg0 : i32
    %iota3A = tpu.iota {dimensions = array<i32: 0>} : vector<16xi32>
    %broadcast_in_dim3A = arith.constant 1.000000e+06 : f32
    %broadcast_in_dim3A_1 = vector.broadcast %broadcast_in_dim3A : f32 to vector<16xf32>
    %broadcast_in_dim3A_2 = arith.constant 0 : i32
    %broadcast_in_dim3A_3 = vector.broadcast %broadcast_in_dim3A_2 : i32 to vector<16xi32>
    "tpu.region"() ({
      %run_scoped3A = tpu.sem_alloc : memref<!tpu.dma_semaphore, #tpu.memory_space<semaphore_mem>>
      %dma_start3A_70 = arith.constant 0 : i32
      %dma_start3A_71 = tpu.memref_slice %arg3[%add3A, %dma_start3A_70] : memref<32x16xi32, #tpu.memory_space<hbm>> -> memref<1x16xi32, #tpu.memory_space<hbm>>
      %dma_start3A_72 = tpu.memref_squeeze %dma_start3A_71 : memref<1x16xi32, #tpu.memory_space<hbm>> -> memref<16xi32, #tpu.memory_space<hbm>>
      %dma_start3A_73 = arith.constant 0 : i32
      %dma_start3A_74 = tpu.memref_slice %arg3[%add3A, %dma_start3A_73] : memref<32x16xi32, #tpu.memory_space<hbm>> -> memref<1x16xi32, #tpu.memory_space<hbm>>
      %dma_start3A_75 = tpu.memref_squeeze %dma_start3A_74 : memref<1x16xi32, #tpu.memory_space<hbm>> -> memref<16xi32, #tpu.memory_space<hbm>>
      tpu.enqueue_dma source(%dma_start3A_75 : memref<16xi32, #tpu.memory_space<hbm>>) target(%arg13 : memref<16xi32, #tpu.memory_space<vmem>>) target_semaphore(%run_scoped3A : memref<!tpu.dma_semaphore, #tpu.memory_space<semaphore_mem>>)
      %dma_wait3A = arith.constant 0 : i32
      %dma_wait3A_76 = tpu.memref_slice %arg3[%add3A, %dma_wait3A] : memref<32x16xi32, #tpu.memory_space<hbm>> -> memref<1x16xi32, #tpu.memory_space<hbm>>
      %dma_wait3A_77 = tpu.memref_squeeze %dma_wait3A_76 : memref<1x16xi32, #tpu.memory_space<hbm>> -> memref<16xi32, #tpu.memory_space<hbm>>
      %dma_wait3A_78 = arith.constant 0 : i32
      %dma_wait3A_79 = tpu.memref_slice %arg3[%add3A, %dma_wait3A_78] : memref<32x16xi32, #tpu.memory_space<hbm>> -> memref<1x16xi32, #tpu.memory_space<hbm>>
      %dma_wait3A_80 = tpu.memref_squeeze %dma_wait3A_79 : memref<1x16xi32, #tpu.memory_space<hbm>> -> memref<16xi32, #tpu.memory_space<hbm>>
      tpu.wait_dma2 semaphore(%run_scoped3A : memref<!tpu.dma_semaphore, #tpu.memory_space<semaphore_mem>>) src(%dma_wait3A_80 : memref<16xi32, #tpu.memory_space<hbm>>) dst(%arg13 : memref<16xi32, #tpu.memory_space<vmem>>)
      tpu.yield
    }) : () -> ()
    %get3A = arith.constant 0 : index
    %get3A_4 = tpu.vector_load %arg13[%get3A] {strides = array<i32>} : memref<16xi32, #tpu.memory_space<vmem>>, vector<16xi32>,
    %eq3A = arith.constant 0 : i32
    %eq3A_5 = vector.broadcast %eq3A : i32 to vector<16xi32>
    %eq3A_6 = arith.cmpi eq, %iota3A, %eq3A_5 : vector<16xi32>
    %jit3A = arith.constant 0 : i32
    %broadcast_in_dim3A_7 = vector.broadcast %jit3A : i32 to vector<16xi32>
    %select_n3A = arith.select %eq3A_6, %get3A_4, %broadcast_in_dim3A_7 : vector<16xi1>, vector<16xi32>
    %reduce_max3A = arith.constant true
    %reduce_max3A_8 = vector.broadcast %reduce_max3A : i1 to vector<16xi1>
    %reduce_max3A_9 = arith.constant -2147483648 : i32
    %reduce_max3A_10 = vector.broadcast %reduce_max3A_9 : i32 to vector<16xi32>
    %reduce_max3A_11 = arith.xori %select_n3A, %reduce_max3A_10 : vector<16xi32>
    %reduce_max3A_12 = tpu.scan <max>, %reduce_max3A_11 masked %reduce_max3A_8 : vector<16xi32>, vector<16xi1> -> vector<16xi32>
    %reduce_max3A_13 = arith.xori %reduce_max3A_12, %reduce_max3A_10 : vector<16xi32>
    %reduce_max3A_14 = vector.extract %reduce_max3A_13[15] : i32 from vector<16xi32>
    %eq3A_15 = arith.constant 1 : i32
    %eq3A_16 = vector.broadcast %eq3A_15 : i32 to vector<16xi32>
    %eq3A_17 = arith.cmpi eq, %iota3A, %eq3A_16 : vector<16xi32>
    %jit3A_18 = arith.constant 0 : i32
    %broadcast_in_dim3A_19 = vector.broadcast %jit3A_18 : i32 to vector<16xi32>
    %select_n3A_20 = arith.select %eq3A_17, %get3A_4, %broadcast_in_dim3A_19 : vector<16xi1>, vector<16xi32>
    %reduce_max3A_21 = arith.constant true
    %reduce_max3A_22 = vector.broadcast %reduce_max3A_21 : i1 to vector<16xi1>
    %reduce_max3A_23 = arith.constant -2147483648 : i32
    %reduce_max3A_24 = vector.broadcast %reduce_max3A_23 : i32 to vector<16xi32>
    %reduce_max3A_25 = arith.xori %select_n3A_20, %reduce_max3A_24 : vector<16xi32>
    %reduce_max3A_26 = tpu.scan <max>, %reduce_max3A_25 masked %reduce_max3A_22 : vector<16xi32>, vector<16xi1> -> vector<16xi32>
    %reduce_max3A_27 = arith.xori %reduce_max3A_26, %reduce_max3A_24 : vector<16xi32>
    %reduce_max3A_28 = vector.extract %reduce_max3A_27[15] : i32 from vector<16xi32>
    "tpu.region"() ({
      %run_scoped3A = tpu.sem_alloc : memref<!tpu.dma_semaphore, #tpu.memory_space<semaphore_mem>>
      %dma_start3A_70 = arith.constant 0 : i32
      %dma_start3A_71 = tpu.memref_slice %arg4[%add3A, %dma_start3A_70] : memref<32x1024xf32, #tpu.memory_space<hbm>> -> memref<1x1024xf32, #tpu.memory_space<hbm>>
      %dma_start3A_72 = tpu.memref_squeeze %dma_start3A_71 : memref<1x1024xf32, #tpu.memory_space<hbm>> -> memref<1024xf32, #tpu.memory_space<hbm>>
      %dma_start3A_73 = arith.constant 0 : i32
      %dma_start3A_74 = tpu.memref_slice %arg4[%add3A, %dma_start3A_73] : memref<32x1024xf32, #tpu.memory_space<hbm>> -> memref<1x1024xf32, #tpu.memory_space<hbm>>
      %dma_start3A_75 = tpu.memref_squeeze %dma_start3A_74 : memref<1x1024xf32, #tpu.memory_space<hbm>> -> memref<1024xf32, #tpu.memory_space<hbm>>
      tpu.enqueue_dma source(%dma_start3A_75 : memref<1024xf32, #tpu.memory_space<hbm>>) target(%arg10 : memref<1024xf32, #tpu.memory_space<vmem>>) target_semaphore(%run_scoped3A : memref<!tpu.dma_semaphore, #tpu.memory_space<semaphore_mem>>)
      %dma_wait3A = arith.constant 0 : i32
      %dma_wait3A_76 = tpu.memref_slice %arg4[%add3A, %dma_wait3A] : memref<32x1024xf32, #tpu.memory_space<hbm>> -> memref<1x1024xf32, #tpu.memory_space<hbm>>
      %dma_wait3A_77 = tpu.memref_squeeze %dma_wait3A_76 : memref<1x1024xf32, #tpu.memory_space<hbm>> -> memref<1024xf32, #tpu.memory_space<hbm>>
      %dma_wait3A_78 = arith.constant 0 : i32
      %dma_wait3A_79 = tpu.memref_slice %arg4[%add3A, %dma_wait3A_78] : memref<32x1024xf32, #tpu.memory_space<hbm>> -> memref<1x1024xf32, #tpu.memory_space<hbm>>
      %dma_wait3A_80 = tpu.memref_squeeze %dma_wait3A_79 : memref<1x1024xf32, #tpu.memory_space<hbm>> -> memref<1024xf32, #tpu.memory_space<hbm>>
      tpu.wait_dma2 semaphore(%run_scoped3A : memref<!tpu.dma_semaphore, #tpu.memory_space<semaphore_mem>>) src(%dma_wait3A_80 : memref<1024xf32, #tpu.memory_space<hbm>>) dst(%arg10 : memref<1024xf32, #tpu.memory_space<vmem>>)
      tpu.yield
    }) : () -> ()
    "tpu.region"() ({
      %run_scoped3A = tpu.sem_alloc : memref<!tpu.dma_semaphore, #tpu.memory_space<semaphore_mem>>
      %dma_start3A_70 = arith.constant 0 : i32
      %dma_start3A_71 = tpu.memref_slice %arg5[%add3A, %dma_start3A_70] : memref<32x1024xi32, #tpu.memory_space<hbm>> -> memref<1x1024xi32, #tpu.memory_space<hbm>>
      %dma_start3A_72 = tpu.memref_squeeze %dma_start3A_71 : memref<1x1024xi32, #tpu.memory_space<hbm>> -> memref<1024xi32, #tpu.memory_space<hbm>>
      %dma_start3A_73 = arith.constant 0 : i32
      %dma_start3A_74 = tpu.memref_slice %arg5[%add3A, %dma_start3A_73] : memref<32x1024xi32, #tpu.memory_space<hbm>> -> memref<1x1024xi32, #tpu.memory_space<hbm>>
      %dma_start3A_75 = tpu.memref_squeeze %dma_start3A_74 : memref<1x1024xi32, #tpu.memory_space<hbm>> -> memref<1024xi32, #tpu.memory_space<hbm>>
      tpu.enqueue_dma source(%dma_start3A_75 : memref<1024xi32, #tpu.memory_space<hbm>>) target(%arg11 : memref<1024xi32, #tpu.memory_space<vmem>>) target_semaphore(%run_scoped3A : memref<!tpu.dma_semaphore, #tpu.memory_space<semaphore_mem>>)
      %dma_wait3A = arith.constant 0 : i32
      %dma_wait3A_76 = tpu.memref_slice %arg5[%add3A, %dma_wait3A] : memref<32x1024xi32, #tpu.memory_space<hbm>> -> memref<1x1024xi32, #tpu.memory_space<hbm>>
      %dma_wait3A_77 = tpu.memref_squeeze %dma_wait3A_76 : memref<1x1024xi32, #tpu.memory_space<hbm>> -> memref<1024xi32, #tpu.memory_space<hbm>>
      %dma_wait3A_78 = arith.constant 0 : i32
      %dma_wait3A_79 = tpu.memref_slice %arg5[%add3A, %dma_wait3A_78] : memref<32x1024xi32, #tpu.memory_space<hbm>> -> memref<1x1024xi32, #tpu.memory_space<hbm>>
      %dma_wait3A_80 = tpu.memref_squeeze %dma_wait3A_79 : memref<1x1024xi32, #tpu.memory_space<hbm>> -> memref<1024xi32, #tpu.memory_space<hbm>>
      tpu.wait_dma2 semaphore(%run_scoped3A : memref<!tpu.dma_semaphore, #tpu.memory_space<semaphore_mem>>) src(%dma_wait3A_80 : memref<1024xi32, #tpu.memory_space<hbm>>) dst(%arg11 : memref<1024xi32, #tpu.memory_space<vmem>>)
      tpu.yield
    }) : () -> ()
    %dma_start3A = arith.constant 0 : i32
    %dma_start3A_29 = arith.constant 0 : i32
    %dma_start3A_30 = arith.constant 0 : i32
    %dma_start3A_31 = arith.constant 0 : i32
    %dma_start3A_32 = tpu.memref_slice %arg14[%dma_start3A, %dma_start3A_30, %dma_start3A_31] : memref<2x8x1024xf32, #tpu.memory_space<vmem>> -> memref<1x8x1024xf32, #tpu.memory_space<vmem>>
    %dma_start3A_33 = tpu.memref_squeeze %dma_start3A_32 : memref<1x8x1024xf32, #tpu.memory_space<vmem>> -> memref<8x1024xf32, #tpu.memory_space<vmem>>
    %dma_start3A_34 = arith.constant 0 : i32
    %dma_start3A_35 = arith.constant 0 : i32
    %dma_start3A_36 = tpu.memref_slice %arg2[%add3A, %dma_start3A_34, %dma_start3A_35] : memref<32x1024x1024xf32, #tpu.memory_space<hbm>> -> memref<1x8x1024xf32, #tpu.memory_space<hbm>>
    %dma_start3A_37 = tpu.memref_squeeze %dma_start3A_36 : memref<1x8x1024xf32, #tpu.memory_space<hbm>> -> memref<8x1024xf32, #tpu.memory_space<hbm>>
    %dma_start3A_38 = tpu.memref_slice %arg15[%dma_start3A_29] : memref<2x!tpu.dma_semaphore, #tpu.memory_space<semaphore_mem>> -> memref<1x!tpu.dma_semaphore, #tpu.memory_space<semaphore_mem>>
    %dma_start3A_39 = tpu.memref_squeeze %dma_start3A_38 : memref<1x!tpu.dma_semaphore, #tpu.memory_space<semaphore_mem>> -> memref<!tpu.dma_semaphore, #tpu.memory_space<semaphore_mem>>
    %dma_start3A_40 = arith.constant 0 : i32
    %dma_start3A_41 = arith.constant 0 : i32
    %dma_start3A_42 = tpu.memref_slice %arg14[%dma_start3A, %dma_start3A_40, %dma_start3A_41] : memref<2x8x1024xf32, #tpu.memory_space<vmem>> -> memref<1x8x1024xf32, #tpu.memory_space<vmem>>
    %dma_start3A_43 = tpu.memref_squeeze %dma_start3A_42 : memref<1x8x1024xf32, #tpu.memory_space<vmem>> -> memref<8x1024xf32, #tpu.memory_space<vmem>>
    %dma_start3A_44 = arith.constant 0 : i32
    %dma_start3A_45 = arith.constant 0 : i32
    %dma_start3A_46 = tpu.memref_slice %arg2[%add3A, %dma_start3A_44, %dma_start3A_45] : memref<32x1024x1024xf32, #tpu.memory_space<hbm>> -> memref<1x8x1024xf32, #tpu.memory_space<hbm>>
    %dma_start3A_47 = tpu.memref_squeeze %dma_start3A_46 : memref<1x8x1024xf32, #tpu.memory_space<hbm>> -> memref<8x1024xf32, #tpu.memory_space<hbm>>
    tpu.enqueue_dma source(%dma_start3A_47 : memref<8x1024xf32, #tpu.memory_space<hbm>>) target(%dma_start3A_43 : memref<8x1024xf32, #tpu.memory_space<vmem>>) target_semaphore(%dma_start3A_39 : memref<!tpu.dma_semaphore, #tpu.memory_space<semaphore_mem>>)
    %parallel_loop3A = arith.constant 0 : i32
    %parallel_loop3A_48 = arith.constant 3072 : i32
    %parallel_loop3A_49 = arith.constant 1 : i32
    scf.for %parallel_loop3A_70 = %parallel_loop3A to %parallel_loop3A_48 step %parallel_loop3A_49  : i32 {
      %parallel_loop3A_71 = arith.constant 16 : i32
      %parallel_loop3A_72 = arith.muli %parallel_loop3A_70, %parallel_loop3A_71 : i32
      %parallel_loop3A_73 = arith.index_cast %parallel_loop3A_72 : i32 to index
      %parallel_loop3A_74 = tpu.vector_load %arg7[%parallel_loop3A_73] {strides = array<i32>} : memref<49152xf32, #tpu.memory_space<vmem>>, vector<16xf32>,
      tpu.vector_store %arg7[%parallel_loop3A_73], %broadcast_in_dim3A_1 {strides = array<i32>} : memref<49152xf32, #tpu.memory_space<vmem>>, vector<16xf32>,
      %parallel_loop3A_75 = arith.constant 16 : i32
      %parallel_loop3A_76 = arith.muli %parallel_loop3A_70, %parallel_loop3A_75 : i32
      %parallel_loop3A_77 = arith.index_cast %parallel_loop3A_76 : i32 to index
      %parallel_loop3A_78 = tpu.vector_load %arg8[%parallel_loop3A_77] {strides = array<i32>} : memref<49152xi32, #tpu.memory_space<vmem>>, vector<16xi32>,
      tpu.vector_store %arg8[%parallel_loop3A_77], %broadcast_in_dim3A_3 {strides = array<i32>} : memref<49152xi32, #tpu.memory_space<vmem>>, vector<16xi32>,
    } {sc.loop_unroll_factor = 8 : i64, sc.parallel_access}
    %scan3A = arith.constant 3.125000e-02 : f32
    %scan3A_50 = arith.constant 0 : i32
    %scan3A_51 = arith.constant 0 : i32
    %scan3A_52 = arith.constant 64 : i32
    %scan3A_53 = arith.addi %scan3A_51, %scan3A_52 : i32
    %scan3A_54 = arith.constant 1 : i32
    %scan3A_55 = scf.for %scan3A_70 = %scan3A_51 to %scan3A_53 step %scan3A_54 iter_args(%scan3A_71 = %scan3A_50) -> (i32)  : i32 {
      %mul3A_72 = arith.constant 2 : i32
      %mul3A_73 = arith.muli %scan3A_70, %mul3A_72 : i32
      %add3A_74 = arith.constant 0 : i32
      %add3A_75 = arith.addi %mul3A_73, %add3A_74 : i32
      %add3A_76 = arith.constant 1 : i32
      %add3A_77 = arith.addi %add3A_75, %add3A_76 : i32
      %lt3A = arith.constant 128 : i32
      %lt3A_78 = arith.cmpi slt, %add3A_77, %lt3A : i32
      %convert_element_type3A = arith.extui %lt3A_78 : i1 to i32
      %cond3A = arith.constant 0 : i32
      %cond3A_79 = arith.cmpi ne, %convert_element_type3A, %cond3A : i32
      scf.if %cond3A_79 {
        %add3A_145 = arith.constant 1 : i32
        %add3A_146 = arith.addi %add3A_75, %add3A_145 : i32
        %mul3A_147 = arith.constant 8 : i32
        %mul3A_148 = arith.muli %add3A_146, %mul3A_147 : i32
        %dma_start3A_149 = arith.constant 1 : i32
        %dma_start3A_150 = arith.constant 1 : i32
        %dma_start3A_151 = arith.constant 0 : i32
        %dma_start3A_152 = arith.constant 0 : i32
        %dma_start3A_153 = tpu.memref_slice %arg14[%dma_start3A_149, %dma_start3A_151, %dma_start3A_152] : memref<2x8x1024xf32, #tpu.memory_space<vmem>> -> memref<1x8x1024xf32, #tpu.memory_space<vmem>>
        %dma_start3A_154 = tpu.memref_squeeze %dma_start3A_153 : memref<1x8x1024xf32, #tpu.memory_space<vmem>> -> memref<8x1024xf32, #tpu.memory_space<vmem>>
        %dma_start3A_155 = arith.constant 0 : i32
        %dma_start3A_156 = tpu.memref_slice %arg2[%add3A, %mul3A_148, %dma_start3A_155] : memref<32x1024x1024xf32, #tpu.memory_space<hbm>> -> memref<1x8x1024xf32, #tpu.memory_space<hbm>>
        %dma_start3A_157 = tpu.memref_squeeze %dma_start3A_156 : memref<1x8x1024xf32, #tpu.memory_space<hbm>> -> memref<8x1024xf32, #tpu.memory_space<hbm>>
        %dma_start3A_158 = tpu.memref_slice %arg15[%dma_start3A_150] : memref<2x!tpu.dma_semaphore, #tpu.memory_space<semaphore_mem>> -> memref<1x!tpu.dma_semaphore, #tpu.memory_space<semaphore_mem>>
        %dma_start3A_159 = tpu.memref_squeeze %dma_start3A_158 : memref<1x!tpu.dma_semaphore, #tpu.memory_space<semaphore_mem>> -> memref<!tpu.dma_semaphore, #tpu.memory_space<semaphore_mem>>
        %dma_start3A_160 = arith.constant 0 : i32
        %dma_start3A_161 = arith.constant 0 : i32
        %dma_start3A_162 = tpu.memref_slice %arg14[%dma_start3A_149, %dma_start3A_160, %dma_start3A_161] : memref<2x8x1024xf32, #tpu.memory_space<vmem>> -> memref<1x8x1024xf32, #tpu.memory_space<vmem>>
        %dma_start3A_163 = tpu.memref_squeeze %dma_start3A_162 : memref<1x8x1024xf32, #tpu.memory_space<vmem>> -> memref<8x1024xf32, #tpu.memory_space<vmem>>
        %dma_start3A_164 = arith.constant 0 : i32
        %dma_start3A_165 = tpu.memref_slice %arg2[%add3A, %mul3A_148, %dma_start3A_164] : memref<32x1024x1024xf32, #tpu.memory_space<hbm>> -> memref<1x8x1024xf32, #tpu.memory_space<hbm>>
        %dma_start3A_166 = tpu.memref_squeeze %dma_start3A_165 : memref<1x8x1024xf32, #tpu.memory_space<hbm>> -> memref<8x1024xf32, #tpu.memory_space<hbm>>
        tpu.enqueue_dma source(%dma_start3A_166 : memref<8x1024xf32, #tpu.memory_space<hbm>>) target(%dma_start3A_163 : memref<8x1024xf32, #tpu.memory_space<vmem>>) target_semaphore(%dma_start3A_159 : memref<!tpu.dma_semaphore, #tpu.memory_space<semaphore_mem>>)
      } else {
      }
      %mul3A_80 = arith.constant 8 : i32
      %mul3A_81 = arith.muli %add3A_75, %mul3A_80 : i32
      %dma_wait3A = arith.constant 0 : i32
      %dma_wait3A_82 = arith.constant 0 : i32
      %dma_wait3A_83 = arith.constant 0 : i32
      %dma_wait3A_84 = arith.constant 0 : i32
      %dma_wait3A_85 = tpu.memref_slice %arg14[%dma_wait3A, %dma_wait3A_83, %dma_wait3A_84] : memref<2x8x1024xf32, #tpu.memory_space<vmem>> -> memref<1x8x1024xf32, #tpu.memory_space<vmem>>
      %dma_wait3A_86 = tpu.memref_squeeze %dma_wait3A_85 : memref<1x8x1024xf32, #tpu.memory_space<vmem>> -> memref<8x1024xf32, #tpu.memory_space<vmem>>
      %dma_wait3A_87 = arith.constant 0 : i32
      %dma_wait3A_88 = tpu.memref_slice %arg2[%add3A, %mul3A_81, %dma_wait3A_87] : memref<32x1024x1024xf32, #tpu.memory_space<hbm>> -> memref<1x8x1024xf32, #tpu.memory_space<hbm>>
      %dma_wait3A_89 = tpu.memref_squeeze %dma_wait3A_88 : memref<1x8x1024xf32, #tpu.memory_space<hbm>> -> memref<8x1024xf32, #tpu.memory_space<hbm>>
      %dma_wait3A_90 = tpu.memref_slice %arg15[%dma_wait3A_82] : memref<2x!tpu.dma_semaphore, #tpu.memory_space<semaphore_mem>> -> memref<1x!tpu.dma_semaphore, #tpu.memory_space<semaphore_mem>>
      %dma_wait3A_91 = tpu.memref_squeeze %dma_wait3A_90 : memref<1x!tpu.dma_semaphore, #tpu.memory_space<semaphore_mem>> -> memref<!tpu.dma_semaphore, #tpu.memory_space<semaphore_mem>>
      %dma_wait3A_92 = arith.constant 0 : i32
      %dma_wait3A_93 = arith.constant 0 : i32
      %dma_wait3A_94 = tpu.memref_slice %arg14[%dma_wait3A, %dma_wait3A_92, %dma_wait3A_93] : memref<2x8x1024xf32, #tpu.memory_space<vmem>> -> memref<1x8x1024xf32, #tpu.memory_space<vmem>>
      %dma_wait3A_95 = tpu.memref_squeeze %dma_wait3A_94 : memref<1x8x1024xf32, #tpu.memory_space<vmem>> -> memref<8x1024xf32, #tpu.memory_space<vmem>>
      %dma_wait3A_96 = arith.constant 0 : i32
      %dma_wait3A_97 = tpu.memref_slice %arg2[%add3A, %mul3A_81, %dma_wait3A_96] : memref<32x1024x1024xf32, #tpu.memory_space<hbm>> -> memref<1x8x1024xf32, #tpu.memory_space<hbm>>
      %dma_wait3A_98 = tpu.memref_squeeze %dma_wait3A_97 : memref<1x8x1024xf32, #tpu.memory_space<hbm>> -> memref<8x1024xf32, #tpu.memory_space<hbm>>
      tpu.wait_dma2 semaphore(%dma_wait3A_91 : memref<!tpu.dma_semaphore, #tpu.memory_space<semaphore_mem>>) src(%dma_wait3A_98 : memref<8x1024xf32, #tpu.memory_space<hbm>>) dst(%dma_wait3A_95 : memref<8x1024xf32, #tpu.memory_space<vmem>>)
      %scan3A_99 = arith.constant 0 : i32
      %scan3A_100 = arith.constant 0 : i32
      %scan3A_101 = arith.constant 8 : i32
      %scan3A_102 = arith.addi %scan3A_100, %scan3A_101 : i32
      %scan3A_103 = arith.constant 1 : i32
      %scan3A_104 = scf.for %scan3A_145 = %scan3A_100 to %scan3A_102 step %scan3A_103 iter_args(%scan3A_146 = %scan3A_99) -> (i32)  : i32 {
        %mul3A_147 = arith.constant 8 : i32
        %mul3A_148 = arith.muli %add3A_75, %mul3A_147 : i32
        %add3A_149 = arith.addi %mul3A_148, %scan3A_145 : i32
        %mul3A_150 = arith.constant 48 : i32
        %mul3A_151 = arith.muli %add3A_149, %mul3A_150 : i32
        %sub3A = arith.constant 1 : i32
        %sub3A_152 = arith.subi %mul3A_151, %sub3A : i32
        %broadcast_in_dim3A_153 = vector.broadcast %sub3A_152 : i32 to vector<16xi32>
        %add3A_154 = arith.constant 48 : i32
        %add3A_155 = arith.addi %mul3A_151, %add3A_154 : i32
        %sub3A_156 = arith.constant 1 : i32
        %sub3A_157 = arith.subi %add3A_155, %sub3A_156 : i32
        %broadcast_in_dim3A_158 = vector.broadcast %sub3A_157 : i32 to vector<16xi32>
        %broadcast_in_dim3A_159 = arith.constant 1 : i32
        %broadcast_in_dim3A_160 = vector.broadcast %broadcast_in_dim3A_159 : i32 to vector<16xi32>
        %broadcast_in_dim3A_161 = arith.constant 0 : i32
        %broadcast_in_dim3A_162 = vector.broadcast %broadcast_in_dim3A_161 : i32 to vector<16xi32>
        %parallel_loop3A_163 = arith.constant 0 : i32
        %parallel_loop3A_164 = arith.constant 64 : i32
        %parallel_loop3A_165 = arith.constant 1 : i32
        %parallel_loop3A_166 = scf.for %parallel_loop3A_172 = %parallel_loop3A_163 to %parallel_loop3A_164 step %parallel_loop3A_165 iter_args(%parallel_loop3A_173 = %broadcast_in_dim3A_162) -> (vector<16xi32>)  : i32 {
          %parallel_loop3A_174 = arith.constant 16 : i32
          %parallel_loop3A_175 = arith.muli %parallel_loop3A_172, %parallel_loop3A_174 : i32
          %parallel_loop3A_176 = arith.constant 0 : i32
          %parallel_loop3A_177 = arith.index_cast %parallel_loop3A_176 : i32 to index
          %parallel_loop3A_178 = arith.index_cast %scan3A_145 : i32 to index
          %parallel_loop3A_179 = arith.index_cast %parallel_loop3A_175 : i32 to index
          %parallel_loop3A_180 = tpu.vector_load %arg14[%parallel_loop3A_177, %parallel_loop3A_178, %parallel_loop3A_179] {strides = array<i32>} : memref<2x8x1024xf32, #tpu.memory_space<vmem>>, vector<16xf32>,
          %parallel_loop3A_181 = vector.broadcast %scan3A : f32 to vector<16xf32>
          %parallel_loop3A_182 = arith.cmpf olt, %parallel_loop3A_180, %parallel_loop3A_181 : vector<16xf32>
          %parallel_loop3A_183 = tpu.scan <sum>, %broadcast_in_dim3A_160 masked %parallel_loop3A_182 : vector<16xi32>, vector<16xi1> -> vector<16xi32>
          %parallel_loop3A_184 = arith.addi %broadcast_in_dim3A_153, %parallel_loop3A_173 : vector<16xi32>
          %parallel_loop3A_185 = arith.addi %parallel_loop3A_184, %parallel_loop3A_183 : vector<16xi32>
          %parallel_loop3A_186 = arith.minui %parallel_loop3A_185, %broadcast_in_dim3A_158 : vector<16xi32>
          %parallel_loop3A_187 = vector.bitcast %parallel_loop3A_186 : vector<16xi32> to vector<16xi32>
          tpu.vector_store_idx %arg7[%parallel_loop3A_187], %parallel_loop3A_180 masked %parallel_loop3A_182 : memref<49152xf32, #tpu.memory_space<vmem>>[vector<16xi32>], vector<16xf32>, vector<16xi1>
          %parallel_loop3A_188 = vector.broadcast %parallel_loop3A_175 : i32 to vector<16xi32>
          %parallel_loop3A_189 = arith.addi %iota3A, %parallel_loop3A_188 : vector<16xi32>
          tpu.vector_store_idx %arg8[%parallel_loop3A_187], %parallel_loop3A_189 masked %parallel_loop3A_182 : memref<49152xi32, #tpu.memory_space<vmem>>[vector<16xi32>], vector<16xi32>, vector<16xi1>
          %parallel_loop3A_190 = tpu.all_reduce %parallel_loop3A_182 {dim = 0 : i64, kind = #tpu.reduction_kind<sum>} : vector<16xi1> -> vector<16xi32>
          %parallel_loop3A_191 = vector.bitcast %parallel_loop3A_190 : vector<16xi32> to vector<16xi32>
          %parallel_loop3A_192 = arith.addi %parallel_loop3A_173, %parallel_loop3A_191 : vector<16xi32>
          scf.yield %parallel_loop3A_192 : vector<16xi32>
        } {sc.loop_unroll_factor = 8 : i64, sc.parallel_access}
        %broadcast_in_dim3A_167 = vector.broadcast %add3A_149 : i32 to vector<16xi32>
        %bitcast3A = vector.bitcast %parallel_loop3A_166 : vector<16xi32> to vector<16xi32>
        %eq3A_168 = arith.constant 0 : i32
        %eq3A_169 = vector.broadcast %eq3A_168 : i32 to vector<16xi32>
        %eq3A_170 = arith.cmpi eq, %iota3A, %eq3A_169 : vector<16xi32>
        tpu.vector_store_idx %arg9[%broadcast_in_dim3A_167], %bitcast3A masked %eq3A_170 : memref<1024xi32, #tpu.memory_space<vmem>>[vector<16xi32>], vector<16xi32>, vector<16xi1>
        %scan3A_171 = arith.constant 0 : i32
        scf.yield %scan3A_171 : i32
      }
      %scan3A_105 = arith.constant 8 : i32
      %mul3A_106 = arith.constant 2 : i32
      %mul3A_107 = arith.muli %scan3A_70, %mul3A_106 : i32
      %add3A_108 = arith.constant 1 : i32
      %add3A_109 = arith.addi %mul3A_107, %add3A_108 : i32
      %add3A_110 = arith.constant 1 : i32
      %add3A_111 = arith.addi %add3A_109, %add3A_110 : i32
      %lt3A_112 = arith.constant 128 : i32
      %lt3A_113 = arith.cmpi slt, %add3A_111, %lt3A_112 : i32
      %convert_element_type3A_114 = arith.extui %lt3A_113 : i1 to i32
      %cond3A_115 = arith.constant 0 : i32
      %cond3A_116 = arith.cmpi ne, %convert_element_type3A_114, %cond3A_115 : i32
      scf.if %cond3A_116 {
        %add3A_145 = arith.constant 1 : i32
        %add3A_146 = arith.addi %add3A_109, %add3A_145 : i32
        %mul3A_147 = arith.constant 8 : i32
        %mul3A_148 = arith.muli %add3A_146, %mul3A_147 : i32
        %dma_start3A_149 = arith.constant 0 : i32
        %dma_start3A_150 = arith.constant 0 : i32
        %dma_start3A_151 = arith.constant 0 : i32
        %dma_start3A_152 = arith.constant 0 : i32
        %dma_start3A_153 = tpu.memref_slice %arg14[%dma_start3A_149, %dma_start3A_151, %dma_start3A_152] : memref<2x8x1024xf32, #tpu.memory_space<vmem>> -> memref<1x8x1024xf32, #tpu.memory_space<vmem>>
        %dma_start3A_154 = tpu.memref_squeeze %dma_start3A_153 : memref<1x8x1024xf32, #tpu.memory_space<vmem>> -> memref<8x1024xf32, #tpu.memory_space<vmem>>
        %dma_start3A_155 = arith.constant 0 : i32
        %dma_start3A_156 = tpu.memref_slice %arg2[%add3A, %mul3A_148, %dma_start3A_155] : memref<32x1024x1024xf32, #tpu.memory_space<hbm>> -> memref<1x8x1024xf32, #tpu.memory_space<hbm>>
        %dma_start3A_157 = tpu.memref_squeeze %dma_start3A_156 : memref<1x8x1024xf32, #tpu.memory_space<hbm>> -> memref<8x1024xf32, #tpu.memory_space<hbm>>
        %dma_start3A_158 = tpu.memref_slice %arg15[%dma_start3A_150] : memref<2x!tpu.dma_semaphore, #tpu.memory_space<semaphore_mem>> -> memref<1x!tpu.dma_semaphore, #tpu.memory_space<semaphore_mem>>
        %dma_start3A_159 = tpu.memref_squeeze %dma_start3A_158 : memref<1x!tpu.dma_semaphore, #tpu.memory_space<semaphore_mem>> -> memref<!tpu.dma_semaphore, #tpu.memory_space<semaphore_mem>>
        %dma_start3A_160 = arith.constant 0 : i32
        %dma_start3A_161 = arith.constant 0 : i32
        %dma_start3A_162 = tpu.memref_slice %arg14[%dma_start3A_149, %dma_start3A_160, %dma_start3A_161] : memref<2x8x1024xf32, #tpu.memory_space<vmem>> -> memref<1x8x1024xf32, #tpu.memory_space<vmem>>
        %dma_start3A_163 = tpu.memref_squeeze %dma_start3A_162 : memref<1x8x1024xf32, #tpu.memory_space<vmem>> -> memref<8x1024xf32, #tpu.memory_space<vmem>>
        %dma_start3A_164 = arith.constant 0 : i32
        %dma_start3A_165 = tpu.memref_slice %arg2[%add3A, %mul3A_148, %dma_start3A_164] : memref<32x1024x1024xf32, #tpu.memory_space<hbm>> -> memref<1x8x1024xf32, #tpu.memory_space<hbm>>
        %dma_start3A_166 = tpu.memref_squeeze %dma_start3A_165 : memref<1x8x1024xf32, #tpu.memory_space<hbm>> -> memref<8x1024xf32, #tpu.memory_space<hbm>>
        tpu.enqueue_dma source(%dma_start3A_166 : memref<8x1024xf32, #tpu.memory_space<hbm>>) target(%dma_start3A_163 : memref<8x1024xf32, #tpu.memory_space<vmem>>) target_semaphore(%dma_start3A_159 : memref<!tpu.dma_semaphore, #tpu.memory_space<semaphore_mem>>)
      } else {
      }
      %mul3A_117 = arith.constant 8 : i32
      %mul3A_118 = arith.muli %add3A_109, %mul3A_117 : i32
      %dma_wait3A_119 = arith.constant 1 : i32
      %dma_wait3A_120 = arith.constant 1 : i32
      %dma_wait3A_121 = arith.constant 0 : i32
      %dma_wait3A_122 = arith.constant 0 : i32
      %dma_wait3A_123 = tpu.memref_slice %arg14[%dma_wait3A_119, %dma_wait3A_121, %dma_wait3A_122] : memref<2x8x1024xf32, #tpu.memory_space<vmem>> -> memref<1x8x1024xf32, #tpu.memory_space<vmem>>
      %dma_wait3A_124 = tpu.memref_squeeze %dma_wait3A_123 : memref<1x8x1024xf32, #tpu.memory_space<vmem>> -> memref<8x1024xf32, #tpu.memory_space<vmem>>
      %dma_wait3A_125 = arith.constant 0 : i32
      %dma_wait3A_126 = tpu.memref_slice %arg2[%add3A, %mul3A_118, %dma_wait3A_125] : memref<32x1024x1024xf32, #tpu.memory_space<hbm>> -> memref<1x8x1024xf32, #tpu.memory_space<hbm>>
      %dma_wait3A_127 = tpu.memref_squeeze %dma_wait3A_126 : memref<1x8x1024xf32, #tpu.memory_space<hbm>> -> memref<8x1024xf32, #tpu.memory_space<hbm>>
      %dma_wait3A_128 = tpu.memref_slice %arg15[%dma_wait3A_120] : memref<2x!tpu.dma_semaphore, #tpu.memory_space<semaphore_mem>> -> memref<1x!tpu.dma_semaphore, #tpu.memory_space<semaphore_mem>>
      %dma_wait3A_129 = tpu.memref_squeeze %dma_wait3A_128 : memref<1x!tpu.dma_semaphore, #tpu.memory_space<semaphore_mem>> -> memref<!tpu.dma_semaphore, #tpu.memory_space<semaphore_mem>>
      %dma_wait3A_130 = arith.constant 0 : i32
      %dma_wait3A_131 = arith.constant 0 : i32
      %dma_wait3A_132 = tpu.memref_slice %arg14[%dma_wait3A_119, %dma_wait3A_130, %dma_wait3A_131] : memref<2x8x1024xf32, #tpu.memory_space<vmem>> -> memref<1x8x1024xf32, #tpu.memory_space<vmem>>
      %dma_wait3A_133 = tpu.memref_squeeze %dma_wait3A_132 : memref<1x8x1024xf32, #tpu.memory_space<vmem>> -> memref<8x1024xf32, #tpu.memory_space<vmem>>
      %dma_wait3A_134 = arith.constant 0 : i32
      %dma_wait3A_135 = tpu.memref_slice %arg2[%add3A, %mul3A_118, %dma_wait3A_134] : memref<32x1024x1024xf32, #tpu.memory_space<hbm>> -> memref<1x8x1024xf32, #tpu.memory_space<hbm>>
      %dma_wait3A_136 = tpu.memref_squeeze %dma_wait3A_135 : memref<1x8x1024xf32, #tpu.memory_space<hbm>> -> memref<8x1024xf32, #tpu.memory_space<hbm>>
      tpu.wait_dma2 semaphore(%dma_wait3A_129 : memref<!tpu.dma_semaphore, #tpu.memory_space<semaphore_mem>>) src(%dma_wait3A_136 : memref<8x1024xf32, #tpu.memory_space<hbm>>) dst(%dma_wait3A_133 : memref<8x1024xf32, #tpu.memory_space<vmem>>)
      %scan3A_137 = arith.constant 0 : i32
      %scan3A_138 = arith.constant 0 : i32
      %scan3A_139 = arith.constant 8 : i32
      %scan3A_140 = arith.addi %scan3A_138, %scan3A_139 : i32
      %scan3A_141 = arith.constant 1 : i32
      %scan3A_142 = scf.for %scan3A_145 = %scan3A_138 to %scan3A_140 step %scan3A_141 iter_args(%scan3A_146 = %scan3A_137) -> (i32)  : i32 {
        %mul3A_147 = arith.constant 8 : i32
        %mul3A_148 = arith.muli %add3A_109, %mul3A_147 : i32
        %add3A_149 = arith.addi %mul3A_148, %scan3A_145 : i32
        %mul3A_150 = arith.constant 48 : i32
        %mul3A_151 = arith.muli %add3A_149, %mul3A_150 : i32
        %sub3A = arith.constant 1 : i32
        %sub3A_152 = arith.subi %mul3A_151, %sub3A : i32
        %broadcast_in_dim3A_153 = vector.broadcast %sub3A_152 : i32 to vector<16xi32>
        %add3A_154 = arith.constant 48 : i32
        %add3A_155 = arith.addi %mul3A_151, %add3A_154 : i32
        %sub3A_156 = arith.constant 1 : i32
        %sub3A_157 = arith.subi %add3A_155, %sub3A_156 : i32
        %broadcast_in_dim3A_158 = vector.broadcast %sub3A_157 : i32 to vector<16xi32>
        %broadcast_in_dim3A_159 = arith.constant 1 : i32
        %broadcast_in_dim3A_160 = vector.broadcast %broadcast_in_dim3A_159 : i32 to vector<16xi32>
        %broadcast_in_dim3A_161 = arith.constant 0 : i32
        %broadcast_in_dim3A_162 = vector.broadcast %broadcast_in_dim3A_161 : i32 to vector<16xi32>
        %parallel_loop3A_163 = arith.constant 0 : i32
        %parallel_loop3A_164 = arith.constant 64 : i32
        %parallel_loop3A_165 = arith.constant 1 : i32
        %parallel_loop3A_166 = scf.for %parallel_loop3A_172 = %parallel_loop3A_163 to %parallel_loop3A_164 step %parallel_loop3A_165 iter_args(%parallel_loop3A_173 = %broadcast_in_dim3A_162) -> (vector<16xi32>)  : i32 {
          %parallel_loop3A_174 = arith.constant 16 : i32
          %parallel_loop3A_175 = arith.muli %parallel_loop3A_172, %parallel_loop3A_174 : i32
          %parallel_loop3A_176 = arith.constant 1 : i32
          %parallel_loop3A_177 = arith.index_cast %parallel_loop3A_176 : i32 to index
          %parallel_loop3A_178 = arith.index_cast %scan3A_145 : i32 to index
          %parallel_loop3A_179 = arith.index_cast %parallel_loop3A_175 : i32 to index
          %parallel_loop3A_180 = tpu.vector_load %arg14[%parallel_loop3A_177, %parallel_loop3A_178, %parallel_loop3A_179] {strides = array<i32>} : memref<2x8x1024xf32, #tpu.memory_space<vmem>>, vector<16xf32>,
          %parallel_loop3A_181 = vector.broadcast %scan3A : f32 to vector<16xf32>
          %parallel_loop3A_182 = arith.cmpf olt, %parallel_loop3A_180, %parallel_loop3A_181 : vector<16xf32>
          %parallel_loop3A_183 = tpu.scan <sum>, %broadcast_in_dim3A_160 masked %parallel_loop3A_182 : vector<16xi32>, vector<16xi1> -> vector<16xi32>
          %parallel_loop3A_184 = arith.addi %broadcast_in_dim3A_153, %parallel_loop3A_173 : vector<16xi32>
          %parallel_loop3A_185 = arith.addi %parallel_loop3A_184, %parallel_loop3A_183 : vector<16xi32>
          %parallel_loop3A_186 = arith.minui %parallel_loop3A_185, %broadcast_in_dim3A_158 : vector<16xi32>
          %parallel_loop3A_187 = vector.bitcast %parallel_loop3A_186 : vector<16xi32> to vector<16xi32>
          tpu.vector_store_idx %arg7[%parallel_loop3A_187], %parallel_loop3A_180 masked %parallel_loop3A_182 : memref<49152xf32, #tpu.memory_space<vmem>>[vector<16xi32>], vector<16xf32>, vector<16xi1>
          %parallel_loop3A_188 = vector.broadcast %parallel_loop3A_175 : i32 to vector<16xi32>
          %parallel_loop3A_189 = arith.addi %iota3A, %parallel_loop3A_188 : vector<16xi32>
          tpu.vector_store_idx %arg8[%parallel_loop3A_187], %parallel_loop3A_189 masked %parallel_loop3A_182 : memref<49152xi32, #tpu.memory_space<vmem>>[vector<16xi32>], vector<16xi32>, vector<16xi1>
          %parallel_loop3A_190 = tpu.all_reduce %parallel_loop3A_182 {dim = 0 : i64, kind = #tpu.reduction_kind<sum>} : vector<16xi1> -> vector<16xi32>
          %parallel_loop3A_191 = vector.bitcast %parallel_loop3A_190 : vector<16xi32> to vector<16xi32>
          %parallel_loop3A_192 = arith.addi %parallel_loop3A_173, %parallel_loop3A_191 : vector<16xi32>
          scf.yield %parallel_loop3A_192 : vector<16xi32>
        } {sc.loop_unroll_factor = 8 : i64, sc.parallel_access}
        %broadcast_in_dim3A_167 = vector.broadcast %add3A_149 : i32 to vector<16xi32>
        %bitcast3A = vector.bitcast %parallel_loop3A_166 : vector<16xi32> to vector<16xi32>
        %eq3A_168 = arith.constant 0 : i32
        %eq3A_169 = vector.broadcast %eq3A_168 : i32 to vector<16xi32>
        %eq3A_170 = arith.cmpi eq, %iota3A, %eq3A_169 : vector<16xi32>
        tpu.vector_store_idx %arg9[%broadcast_in_dim3A_167], %bitcast3A masked %eq3A_170 : memref<1024xi32, #tpu.memory_space<vmem>>[vector<16xi32>], vector<16xi32>, vector<16xi1>
        %scan3A_171 = arith.constant 0 : i32
        scf.yield %scan3A_171 : i32
      }
      %scan3A_143 = arith.constant 8 : i32
      %scan3A_144 = arith.constant 0 : i32
      scf.yield %scan3A_144 : i32
    }
    %scan3A_56 = arith.constant 64 : i32
    %scan3A_57 = arith.constant 0 : i32
    %scan3A_58 = arith.constant 0 : i32
    %scan3A_59 = arith.constant 64 : i32
    %scan3A_60 = arith.addi %scan3A_58, %scan3A_59 : i32
    %scan3A_61 = arith.constant 1 : i32
    %scan3A_62 = scf.for %scan3A_70 = %scan3A_58 to %scan3A_60 step %scan3A_61 iter_args(%scan3A_71 = %scan3A_57) -> (i32)  : i32 {
      %mul3A_72 = arith.constant 16 : i32
      %mul3A_73 = arith.muli %scan3A_70, %mul3A_72 : i32
      %get3A_74 = arith.index_cast %mul3A_73 : i32 to index
      %get3A_75 = tpu.vector_load %arg9[%get3A_74] {strides = array<i32>} : memref<1024xi32, #tpu.memory_space<vmem>>, vector<16xi32>,
      %gt3A = arith.constant 48 : i32
      %gt3A_76 = vector.broadcast %gt3A : i32 to vector<16xi32>
      %gt3A_77 = arith.cmpi sgt, %get3A_75, %gt3A_76 : vector<16xi32>
      %all_reduce_population_count3A = tpu.all_reduce %gt3A_77 {dim = 0 : i64, kind = #tpu.reduction_kind<sum>} : vector<16xi1> -> vector<16xi32>
      %slice3A = vector.extract_strided_slice %all_reduce_population_count3A {offsets = [0], sizes = [1], strides = [1]} : vector<16xi32> to vector<1xi32>
      %squeeze3A = vector.extract %slice3A[0] : i32 from vector<1xi32>
      %gt3A_78 = arith.constant 0 : i32
      %gt3A_79 = arith.cmpi sgt, %squeeze3A, %gt3A_78 : i32
      %convert_element_type3A = arith.extui %gt3A_79 : i1 to i32
      %cond3A = arith.constant 0 : i32
      %cond3A_80 = arith.cmpi ne, %convert_element_type3A, %cond3A : i32
      scf.if %cond3A_80 {
        %slice3A_82 = vector.extract_strided_slice %get3A_75 {offsets = [0], sizes = [1], strides = [1]} : vector<16xi32> to vector<1xi32>
        %squeeze3A_83 = vector.extract %slice3A_82[0] : i32 from vector<1xi32>
        %gt3A_84 = arith.constant 48 : i32
        %gt3A_85 = arith.cmpi sgt, %squeeze3A_83, %gt3A_84 : i32
        %convert_element_type3A_86 = arith.extui %gt3A_85 : i1 to i32
        %cond3A_87 = arith.constant 0 : i32
        %cond3A_88 = arith.cmpi ne, %convert_element_type3A_86, %cond3A_87 : i32
        scf.if %cond3A_88 {
          %mul3A_194 = arith.constant 16 : i32
          %mul3A_195 = arith.muli %scan3A_70, %mul3A_194 : i32
          %add3A_196 = arith.constant 0 : i32
          %add3A_197 = arith.addi %mul3A_195, %add3A_196 : i32
          %mul3A_198 = arith.constant 48 : i32
          %mul3A_199 = arith.muli %add3A_197, %mul3A_198 : i32
          %add3A_200 = arith.constant 0 : i32
          %add3A_201 = arith.addi %mul3A_199, %add3A_200 : i32
          %swap3A = arith.index_cast %add3A_201 : i32 to index
          %swap3A_202 = tpu.vector_load %arg7[%swap3A] {strides = array<i32>} : memref<49152xf32, #tpu.memory_space<vmem>>, vector<16xf32>,
          tpu.vector_store %arg7[%swap3A], %broadcast_in_dim3A_1 {strides = array<i32>} : memref<49152xf32, #tpu.memory_space<vmem>>, vector<16xf32>,
          %add3A_203 = arith.constant 16 : i32
          %add3A_204 = arith.addi %mul3A_199, %add3A_203 : i32
          %swap3A_205 = arith.index_cast %add3A_204 : i32 to index
          %swap3A_206 = tpu.vector_load %arg7[%swap3A_205] {strides = array<i32>} : memref<49152xf32, #tpu.memory_space<vmem>>, vector<16xf32>,
          tpu.vector_store %arg7[%swap3A_205], %broadcast_in_dim3A_1 {strides = array<i32>} : memref<49152xf32, #tpu.memory_space<vmem>>, vector<16xf32>,
          %add3A_207 = arith.constant 32 : i32
          %add3A_208 = arith.addi %mul3A_199, %add3A_207 : i32
          %swap3A_209 = arith.index_cast %add3A_208 : i32 to index
          %swap3A_210 = tpu.vector_load %arg7[%swap3A_209] {strides = array<i32>} : memref<49152xf32, #tpu.memory_space<vmem>>, vector<16xf32>,
          tpu.vector_store %arg7[%swap3A_209], %broadcast_in_dim3A_1 {strides = array<i32>} : memref<49152xf32, #tpu.memory_space<vmem>>, vector<16xf32>,
        } else {
        }
        %slice3A_89 = vector.extract_strided_slice %get3A_75 {offsets = [1], sizes = [1], strides = [1]} : vector<16xi32> to vector<1xi32>
        %squeeze3A_90 = vector.extract %slice3A_89[0] : i32 from vector<1xi32>
        %gt3A_91 = arith.constant 48 : i32
        %gt3A_92 = arith.cmpi sgt, %squeeze3A_90, %gt3A_91 : i32
        %convert_element_type3A_93 = arith.extui %gt3A_92 : i1 to i32
        %cond3A_94 = arith.constant 0 : i32
        %cond3A_95 = arith.cmpi ne, %convert_element_type3A_93, %cond3A_94 : i32
        scf.if %cond3A_95 {
          %mul3A_194 = arith.constant 16 : i32
          %mul3A_195 = arith.muli %scan3A_70, %mul3A_194 : i32
          %add3A_196 = arith.constant 1 : i32
          %add3A_197 = arith.addi %mul3A_195, %add3A_196 : i32
          %mul3A_198 = arith.constant 48 : i32
          %mul3A_199 = arith.muli %add3A_197, %mul3A_198 : i32
          %add3A_200 = arith.constant 0 : i32
          %add3A_201 = arith.addi %mul3A_199, %add3A_200 : i32
          %swap3A = arith.index_cast %add3A_201 : i32 to index
          %swap3A_202 = tpu.vector_load %arg7[%swap3A] {strides = array<i32>} : memref<49152xf32, #tpu.memory_space<vmem>>, vector<16xf32>,
          tpu.vector_store %arg7[%swap3A], %broadcast_in_dim3A_1 {strides = array<i32>} : memref<49152xf32, #tpu.memory_space<vmem>>, vector<16xf32>,
          %add3A_203 = arith.constant 16 : i32
          %add3A_204 = arith.addi %mul3A_199, %add3A_203 : i32
          %swap3A_205 = arith.index_cast %add3A_204 : i32 to index
          %swap3A_206 = tpu.vector_load %arg7[%swap3A_205] {strides = array<i32>} : memref<49152xf32, #tpu.memory_space<vmem>>, vector<16xf32>,
          tpu.vector_store %arg7[%swap3A_205], %broadcast_in_dim3A_1 {strides = array<i32>} : memref<49152xf32, #tpu.memory_space<vmem>>, vector<16xf32>,
          %add3A_207 = arith.constant 32 : i32
          %add3A_208 = arith.addi %mul3A_199, %add3A_207 : i32
          %swap3A_209 = arith.index_cast %add3A_208 : i32 to index
          %swap3A_210 = tpu.vector_load %arg7[%swap3A_209] {strides = array<i32>} : memref<49152xf32, #tpu.memory_space<vmem>>, vector<16xf32>,
          tpu.vector_store %arg7[%swap3A_209], %broadcast_in_dim3A_1 {strides = array<i32>} : memref<49152xf32, #tpu.memory_space<vmem>>, vector<16xf32>,
        } else {
        }
        %slice3A_96 = vector.extract_strided_slice %get3A_75 {offsets = [2], sizes = [1], strides = [1]} : vector<16xi32> to vector<1xi32>
        %squeeze3A_97 = vector.extract %slice3A_96[0] : i32 from vector<1xi32>
        %gt3A_98 = arith.constant 48 : i32
        %gt3A_99 = arith.cmpi sgt, %squeeze3A_97, %gt3A_98 : i32
        %convert_element_type3A_100 = arith.extui %gt3A_99 : i1 to i32
        %cond3A_101 = arith.constant 0 : i32
        %cond3A_102 = arith.cmpi ne, %convert_element_type3A_100, %cond3A_101 : i32
        scf.if %cond3A_102 {
          %mul3A_194 = arith.constant 16 : i32
          %mul3A_195 = arith.muli %scan3A_70, %mul3A_194 : i32
          %add3A_196 = arith.constant 2 : i32
          %add3A_197 = arith.addi %mul3A_195, %add3A_196 : i32
          %mul3A_198 = arith.constant 48 : i32
          %mul3A_199 = arith.muli %add3A_197, %mul3A_198 : i32
          %add3A_200 = arith.constant 0 : i32
          %add3A_201 = arith.addi %mul3A_199, %add3A_200 : i32
          %swap3A = arith.index_cast %add3A_201 : i32 to index
          %swap3A_202 = tpu.vector_load %arg7[%swap3A] {strides = array<i32>} : memref<49152xf32, #tpu.memory_space<vmem>>, vector<16xf32>,
          tpu.vector_store %arg7[%swap3A], %broadcast_in_dim3A_1 {strides = array<i32>} : memref<49152xf32, #tpu.memory_space<vmem>>, vector<16xf32>,
          %add3A_203 = arith.constant 16 : i32
          %add3A_204 = arith.addi %mul3A_199, %add3A_203 : i32
          %swap3A_205 = arith.index_cast %add3A_204 : i32 to index
          %swap3A_206 = tpu.vector_load %arg7[%swap3A_205] {strides = array<i32>} : memref<49152xf32, #tpu.memory_space<vmem>>, vector<16xf32>,
          tpu.vector_store %arg7[%swap3A_205], %broadcast_in_dim3A_1 {strides = array<i32>} : memref<49152xf32, #tpu.memory_space<vmem>>, vector<16xf32>,
          %add3A_207 = arith.constant 32 : i32
          %add3A_208 = arith.addi %mul3A_199, %add3A_207 : i32
          %swap3A_209 = arith.index_cast %add3A_208 : i32 to index
          %swap3A_210 = tpu.vector_load %arg7[%swap3A_209] {strides = array<i32>} : memref<49152xf32, #tpu.memory_space<vmem>>, vector<16xf32>,
          tpu.vector_store %arg7[%swap3A_209], %broadcast_in_dim3A_1 {strides = array<i32>} : memref<49152xf32, #tpu.memory_space<vmem>>, vector<16xf32>,
        } else {
        }
        %slice3A_103 = vector.extract_strided_slice %get3A_75 {offsets = [3], sizes = [1], strides = [1]} : vector<16xi32> to vector<1xi32>
        %squeeze3A_104 = vector.extract %slice3A_103[0] : i32 from vector<1xi32>
        %gt3A_105 = arith.constant 48 : i32
        %gt3A_106 = arith.cmpi sgt, %squeeze3A_104, %gt3A_105 : i32
        %convert_element_type3A_107 = arith.extui %gt3A_106 : i1 to i32
        %cond3A_108 = arith.constant 0 : i32
        %cond3A_109 = arith.cmpi ne, %convert_element_type3A_107, %cond3A_108 : i32
        scf.if %cond3A_109 {
          %mul3A_194 = arith.constant 16 : i32
          %mul3A_195 = arith.muli %scan3A_70, %mul3A_194 : i32
          %add3A_196 = arith.constant 3 : i32
          %add3A_197 = arith.addi %mul3A_195, %add3A_196 : i32
          %mul3A_198 = arith.constant 48 : i32
          %mul3A_199 = arith.muli %add3A_197, %mul3A_198 : i32
          %add3A_200 = arith.constant 0 : i32
          %add3A_201 = arith.addi %mul3A_199, %add3A_200 : i32
          %swap3A = arith.index_cast %add3A_201 : i32 to index
          %swap3A_202 = tpu.vector_load %arg7[%swap3A] {strides = array<i32>} : memref<49152xf32, #tpu.memory_space<vmem>>, vector<16xf32>,
          tpu.vector_store %arg7[%swap3A], %broadcast_in_dim3A_1 {strides = array<i32>} : memref<49152xf32, #tpu.memory_space<vmem>>, vector<16xf32>,
          %add3A_203 = arith.constant 16 : i32
          %add3A_204 = arith.addi %mul3A_199, %add3A_203 : i32
          %swap3A_205 = arith.index_cast %add3A_204 : i32 to index
          %swap3A_206 = tpu.vector_load %arg7[%swap3A_205] {strides = array<i32>} : memref<49152xf32, #tpu.memory_space<vmem>>, vector<16xf32>,
          tpu.vector_store %arg7[%swap3A_205], %broadcast_in_dim3A_1 {strides = array<i32>} : memref<49152xf32, #tpu.memory_space<vmem>>, vector<16xf32>,
          %add3A_207 = arith.constant 32 : i32
          %add3A_208 = arith.addi %mul3A_199, %add3A_207 : i32
          %swap3A_209 = arith.index_cast %add3A_208 : i32 to index
          %swap3A_210 = tpu.vector_load %arg7[%swap3A_209] {strides = array<i32>} : memref<49152xf32, #tpu.memory_space<vmem>>, vector<16xf32>,
          tpu.vector_store %arg7[%swap3A_209], %broadcast_in_dim3A_1 {strides = array<i32>} : memref<49152xf32, #tpu.memory_space<vmem>>, vector<16xf32>,
        } else {
        }
        %slice3A_110 = vector.extract_strided_slice %get3A_75 {offsets = [4], sizes = [1], strides = [1]} : vector<16xi32> to vector<1xi32>
        %squeeze3A_111 = vector.extract %slice3A_110[0] : i32 from vector<1xi32>
        %gt3A_112 = arith.constant 48 : i32
        %gt3A_113 = arith.cmpi sgt, %squeeze3A_111, %gt3A_112 : i32
        %convert_element_type3A_114 = arith.extui %gt3A_113 : i1 to i32
        %cond3A_115 = arith.constant 0 : i32
        %cond3A_116 = arith.cmpi ne, %convert_element_type3A_114, %cond3A_115 : i32
        scf.if %cond3A_116 {
          %mul3A_194 = arith.constant 16 : i32
          %mul3A_195 = arith.muli %scan3A_70, %mul3A_194 : i32
          %add3A_196 = arith.constant 4 : i32
          %add3A_197 = arith.addi %mul3A_195, %add3A_196 : i32
          %mul3A_198 = arith.constant 48 : i32
          %mul3A_199 = arith.muli %add3A_197, %mul3A_198 : i32
          %add3A_200 = arith.constant 0 : i32
          %add3A_201 = arith.addi %mul3A_199, %add3A_200 : i32
          %swap3A = arith.index_cast %add3A_201 : i32 to index
          %swap3A_202 = tpu.vector_load %arg7[%swap3A] {strides = array<i32>} : memref<49152xf32, #tpu.memory_space<vmem>>, vector<16xf32>,
          tpu.vector_store %arg7[%swap3A], %broadcast_in_dim3A_1 {strides = array<i32>} : memref<49152xf32, #tpu.memory_space<vmem>>, vector<16xf32>,
          %add3A_203 = arith.constant 16 : i32
          %add3A_204 = arith.addi %mul3A_199, %add3A_203 : i32
          %swap3A_205 = arith.index_cast %add3A_204 : i32 to index
          %swap3A_206 = tpu.vector_load %arg7[%swap3A_205] {strides = array<i32>} : memref<49152xf32, #tpu.memory_space<vmem>>, vector<16xf32>,
          tpu.vector_store %arg7[%swap3A_205], %broadcast_in_dim3A_1 {strides = array<i32>} : memref<49152xf32, #tpu.memory_space<vmem>>, vector<16xf32>,
          %add3A_207 = arith.constant 32 : i32
          %add3A_208 = arith.addi %mul3A_199, %add3A_207 : i32
          %swap3A_209 = arith.index_cast %add3A_208 : i32 to index
          %swap3A_210 = tpu.vector_load %arg7[%swap3A_209] {strides = array<i32>} : memref<49152xf32, #tpu.memory_space<vmem>>, vector<16xf32>,
          tpu.vector_store %arg7[%swap3A_209], %broadcast_in_dim3A_1 {strides = array<i32>} : memref<49152xf32, #tpu.memory_space<vmem>>, vector<16xf32>,
        } else {
        }
        %slice3A_117 = vector.extract_strided_slice %get3A_75 {offsets = [5], sizes = [1], strides = [1]} : vector<16xi32> to vector<1xi32>
        %squeeze3A_118 = vector.extract %slice3A_117[0] : i32 from vector<1xi32>
        %gt3A_119 = arith.constant 48 : i32
        %gt3A_120 = arith.cmpi sgt, %squeeze3A_118, %gt3A_119 : i32
        %convert_element_type3A_121 = arith.extui %gt3A_120 : i1 to i32
        %cond3A_122 = arith.constant 0 : i32
        %cond3A_123 = arith.cmpi ne, %convert_element_type3A_121, %cond3A_122 : i32
        scf.if %cond3A_123 {
          %mul3A_194 = arith.constant 16 : i32
          %mul3A_195 = arith.muli %scan3A_70, %mul3A_194 : i32
          %add3A_196 = arith.constant 5 : i32
          %add3A_197 = arith.addi %mul3A_195, %add3A_196 : i32
          %mul3A_198 = arith.constant 48 : i32
          %mul3A_199 = arith.muli %add3A_197, %mul3A_198 : i32
          %add3A_200 = arith.constant 0 : i32
          %add3A_201 = arith.addi %mul3A_199, %add3A_200 : i32
          %swap3A = arith.index_cast %add3A_201 : i32 to index
          %swap3A_202 = tpu.vector_load %arg7[%swap3A] {strides = array<i32>} : memref<49152xf32, #tpu.memory_space<vmem>>, vector<16xf32>,
          tpu.vector_store %arg7[%swap3A], %broadcast_in_dim3A_1 {strides = array<i32>} : memref<49152xf32, #tpu.memory_space<vmem>>, vector<16xf32>,
          %add3A_203 = arith.constant 16 : i32
          %add3A_204 = arith.addi %mul3A_199, %add3A_203 : i32
          %swap3A_205 = arith.index_cast %add3A_204 : i32 to index
          %swap3A_206 = tpu.vector_load %arg7[%swap3A_205] {strides = array<i32>} : memref<49152xf32, #tpu.memory_space<vmem>>, vector<16xf32>,
          tpu.vector_store %arg7[%swap3A_205], %broadcast_in_dim3A_1 {strides = array<i32>} : memref<49152xf32, #tpu.memory_space<vmem>>, vector<16xf32>,
          %add3A_207 = arith.constant 32 : i32
          %add3A_208 = arith.addi %mul3A_199, %add3A_207 : i32
          %swap3A_209 = arith.index_cast %add3A_208 : i32 to index
          %swap3A_210 = tpu.vector_load %arg7[%swap3A_209] {strides = array<i32>} : memref<49152xf32, #tpu.memory_space<vmem>>, vector<16xf32>,
          tpu.vector_store %arg7[%swap3A_209], %broadcast_in_dim3A_1 {strides = array<i32>} : memref<49152xf32, #tpu.memory_space<vmem>>, vector<16xf32>,
        } else {
        }
        %slice3A_124 = vector.extract_strided_slice %get3A_75 {offsets = [6], sizes = [1], strides = [1]} : vector<16xi32> to vector<1xi32>
        %squeeze3A_125 = vector.extract %slice3A_124[0] : i32 from vector<1xi32>
        %gt3A_126 = arith.constant 48 : i32
        %gt3A_127 = arith.cmpi sgt, %squeeze3A_125, %gt3A_126 : i32
        %convert_element_type3A_128 = arith.extui %gt3A_127 : i1 to i32
        %cond3A_129 = arith.constant 0 : i32
        %cond3A_130 = arith.cmpi ne, %convert_element_type3A_128, %cond3A_129 : i32
        scf.if %cond3A_130 {
          %mul3A_194 = arith.constant 16 : i32
          %mul3A_195 = arith.muli %scan3A_70, %mul3A_194 : i32
          %add3A_196 = arith.constant 6 : i32
          %add3A_197 = arith.addi %mul3A_195, %add3A_196 : i32
          %mul3A_198 = arith.constant 48 : i32
          %mul3A_199 = arith.muli %add3A_197, %mul3A_198 : i32
          %add3A_200 = arith.constant 0 : i32
          %add3A_201 = arith.addi %mul3A_199, %add3A_200 : i32
          %swap3A = arith.index_cast %add3A_201 : i32 to index
          %swap3A_202 = tpu.vector_load %arg7[%swap3A] {strides = array<i32>} : memref<49152xf32, #tpu.memory_space<vmem>>, vector<16xf32>,
          tpu.vector_store %arg7[%swap3A], %broadcast_in_dim3A_1 {strides = array<i32>} : memref<49152xf32, #tpu.memory_space<vmem>>, vector<16xf32>,
          %add3A_203 = arith.constant 16 : i32
          %add3A_204 = arith.addi %mul3A_199, %add3A_203 : i32
          %swap3A_205 = arith.index_cast %add3A_204 : i32 to index
          %swap3A_206 = tpu.vector_load %arg7[%swap3A_205] {strides = array<i32>} : memref<49152xf32, #tpu.memory_space<vmem>>, vector<16xf32>,
          tpu.vector_store %arg7[%swap3A_205], %broadcast_in_dim3A_1 {strides = array<i32>} : memref<49152xf32, #tpu.memory_space<vmem>>, vector<16xf32>,
          %add3A_207 = arith.constant 32 : i32
          %add3A_208 = arith.addi %mul3A_199, %add3A_207 : i32
          %swap3A_209 = arith.index_cast %add3A_208 : i32 to index
          %swap3A_210 = tpu.vector_load %arg7[%swap3A_209] {strides = array<i32>} : memref<49152xf32, #tpu.memory_space<vmem>>, vector<16xf32>,
          tpu.vector_store %arg7[%swap3A_209], %broadcast_in_dim3A_1 {strides = array<i32>} : memref<49152xf32, #tpu.memory_space<vmem>>, vector<16xf32>,
        } else {
        }
        %slice3A_131 = vector.extract_strided_slice %get3A_75 {offsets = [7], sizes = [1], strides = [1]} : vector<16xi32> to vector<1xi32>
        %squeeze3A_132 = vector.extract %slice3A_131[0] : i32 from vector<1xi32>
        %gt3A_133 = arith.constant 48 : i32
        %gt3A_134 = arith.cmpi sgt, %squeeze3A_132, %gt3A_133 : i32
        %convert_element_type3A_135 = arith.extui %gt3A_134 : i1 to i32
        %cond3A_136 = arith.constant 0 : i32
        %cond3A_137 = arith.cmpi ne, %convert_element_type3A_135, %cond3A_136 : i32
        scf.if %cond3A_137 {
          %mul3A_194 = arith.constant 16 : i32
          %mul3A_195 = arith.muli %scan3A_70, %mul3A_194 : i32
          %add3A_196 = arith.constant 7 : i32
          %add3A_197 = arith.addi %mul3A_195, %add3A_196 : i32
          %mul3A_198 = arith.constant 48 : i32
          %mul3A_199 = arith.muli %add3A_197, %mul3A_198 : i32
          %add3A_200 = arith.constant 0 : i32
          %add3A_201 = arith.addi %mul3A_199, %add3A_200 : i32
          %swap3A = arith.index_cast %add3A_201 : i32 to index
          %swap3A_202 = tpu.vector_load %arg7[%swap3A] {strides = array<i32>} : memref<49152xf32, #tpu.memory_space<vmem>>, vector<16xf32>,
          tpu.vector_store %arg7[%swap3A], %broadcast_in_dim3A_1 {strides = array<i32>} : memref<49152xf32, #tpu.memory_space<vmem>>, vector<16xf32>,
          %add3A_203 = arith.constant 16 : i32
          %add3A_204 = arith.addi %mul3A_199, %add3A_203 : i32
          %swap3A_205 = arith.index_cast %add3A_204 : i32 to index
          %swap3A_206 = tpu.vector_load %arg7[%swap3A_205] {strides = array<i32>} : memref<49152xf32, #tpu.memory_space<vmem>>, vector<16xf32>,
          tpu.vector_store %arg7[%swap3A_205], %broadcast_in_dim3A_1 {strides = array<i32>} : memref<49152xf32, #tpu.memory_space<vmem>>, vector<16xf32>,
          %add3A_207 = arith.constant 32 : i32
          %add3A_208 = arith.addi %mul3A_199, %add3A_207 : i32
          %swap3A_209 = arith.index_cast %add3A_208 : i32 to index
          %swap3A_210 = tpu.vector_load %arg7[%swap3A_209] {strides = array<i32>} : memref<49152xf32, #tpu.memory_space<vmem>>, vector<16xf32>,
          tpu.vector_store %arg7[%swap3A_209], %broadcast_in_dim3A_1 {strides = array<i32>} : memref<49152xf32, #tpu.memory_space<vmem>>, vector<16xf32>,
        } else {
        }
        %slice3A_138 = vector.extract_strided_slice %get3A_75 {offsets = [8], sizes = [1], strides = [1]} : vector<16xi32> to vector<1xi32>
        %squeeze3A_139 = vector.extract %slice3A_138[0] : i32 from vector<1xi32>
        %gt3A_140 = arith.constant 48 : i32
        %gt3A_141 = arith.cmpi sgt, %squeeze3A_139, %gt3A_140 : i32
        %convert_element_type3A_142 = arith.extui %gt3A_141 : i1 to i32
        %cond3A_143 = arith.constant 0 : i32
        %cond3A_144 = arith.cmpi ne, %convert_element_type3A_142, %cond3A_143 : i32
        scf.if %cond3A_144 {
          %mul3A_194 = arith.constant 16 : i32
          %mul3A_195 = arith.muli %scan3A_70, %mul3A_194 : i32
          %add3A_196 = arith.constant 8 : i32
          %add3A_197 = arith.addi %mul3A_195, %add3A_196 : i32
          %mul3A_198 = arith.constant 48 : i32
          %mul3A_199 = arith.muli %add3A_197, %mul3A_198 : i32
          %add3A_200 = arith.constant 0 : i32
          %add3A_201 = arith.addi %mul3A_199, %add3A_200 : i32
          %swap3A = arith.index_cast %add3A_201 : i32 to index
          %swap3A_202 = tpu.vector_load %arg7[%swap3A] {strides = array<i32>} : memref<49152xf32, #tpu.memory_space<vmem>>, vector<16xf32>,
          tpu.vector_store %arg7[%swap3A], %broadcast_in_dim3A_1 {strides = array<i32>} : memref<49152xf32, #tpu.memory_space<vmem>>, vector<16xf32>,
          %add3A_203 = arith.constant 16 : i32
          %add3A_204 = arith.addi %mul3A_199, %add3A_203 : i32
          %swap3A_205 = arith.index_cast %add3A_204 : i32 to index
          %swap3A_206 = tpu.vector_load %arg7[%swap3A_205] {strides = array<i32>} : memref<49152xf32, #tpu.memory_space<vmem>>, vector<16xf32>,
          tpu.vector_store %arg7[%swap3A_205], %broadcast_in_dim3A_1 {strides = array<i32>} : memref<49152xf32, #tpu.memory_space<vmem>>, vector<16xf32>,
          %add3A_207 = arith.constant 32 : i32
          %add3A_208 = arith.addi %mul3A_199, %add3A_207 : i32
          %swap3A_209 = arith.index_cast %add3A_208 : i32 to index
          %swap3A_210 = tpu.vector_load %arg7[%swap3A_209] {strides = array<i32>} : memref<49152xf32, #tpu.memory_space<vmem>>, vector<16xf32>,
          tpu.vector_store %arg7[%swap3A_209], %broadcast_in_dim3A_1 {strides = array<i32>} : memref<49152xf32, #tpu.memory_space<vmem>>, vector<16xf32>,
        } else {
        }
        %slice3A_145 = vector.extract_strided_slice %get3A_75 {offsets = [9], sizes = [1], strides = [1]} : vector<16xi32> to vector<1xi32>
        %squeeze3A_146 = vector.extract %slice3A_145[0] : i32 from vector<1xi32>
        %gt3A_147 = arith.constant 48 : i32
        %gt3A_148 = arith.cmpi sgt, %squeeze3A_146, %gt3A_147 : i32
        %convert_element_type3A_149 = arith.extui %gt3A_148 : i1 to i32
        %cond3A_150 = arith.constant 0 : i32
        %cond3A_151 = arith.cmpi ne, %convert_element_type3A_149, %cond3A_150 : i32
        scf.if %cond3A_151 {
          %mul3A_194 = arith.constant 16 : i32
          %mul3A_195 = arith.muli %scan3A_70, %mul3A_194 : i32
          %add3A_196 = arith.constant 9 : i32
          %add3A_197 = arith.addi %mul3A_195, %add3A_196 : i32
          %mul3A_198 = arith.constant 48 : i32
          %mul3A_199 = arith.muli %add3A_197, %mul3A_198 : i32
          %add3A_200 = arith.constant 0 : i32
          %add3A_201 = arith.addi %mul3A_199, %add3A_200 : i32
          %swap3A = arith.index_cast %add3A_201 : i32 to index
          %swap3A_202 = tpu.vector_load %arg7[%swap3A] {strides = array<i32>} : memref<49152xf32, #tpu.memory_space<vmem>>, vector<16xf32>,
          tpu.vector_store %arg7[%swap3A], %broadcast_in_dim3A_1 {strides = array<i32>} : memref<49152xf32, #tpu.memory_space<vmem>>, vector<16xf32>,
          %add3A_203 = arith.constant 16 : i32
          %add3A_204 = arith.addi %mul3A_199, %add3A_203 : i32
          %swap3A_205 = arith.index_cast %add3A_204 : i32 to index
          %swap3A_206 = tpu.vector_load %arg7[%swap3A_205] {strides = array<i32>} : memref<49152xf32, #tpu.memory_space<vmem>>, vector<16xf32>,
          tpu.vector_store %arg7[%swap3A_205], %broadcast_in_dim3A_1 {strides = array<i32>} : memref<49152xf32, #tpu.memory_space<vmem>>, vector<16xf32>,
          %add3A_207 = arith.constant 32 : i32
          %add3A_208 = arith.addi %mul3A_199, %add3A_207 : i32
          %swap3A_209 = arith.index_cast %add3A_208 : i32 to index
          %swap3A_210 = tpu.vector_load %arg7[%swap3A_209] {strides = array<i32>} : memref<49152xf32, #tpu.memory_space<vmem>>, vector<16xf32>,
          tpu.vector_store %arg7[%swap3A_209], %broadcast_in_dim3A_1 {strides = array<i32>} : memref<49152xf32, #tpu.memory_space<vmem>>, vector<16xf32>,
        } else {
        }
        %slice3A_152 = vector.extract_strided_slice %get3A_75 {offsets = [10], sizes = [1], strides = [1]} : vector<16xi32> to vector<1xi32>
        %squeeze3A_153 = vector.extract %slice3A_152[0] : i32 from vector<1xi32>
        %gt3A_154 = arith.constant 48 : i32
        %gt3A_155 = arith.cmpi sgt, %squeeze3A_153, %gt3A_154 : i32
        %convert_element_type3A_156 = arith.extui %gt3A_155 : i1 to i32
        %cond3A_157 = arith.constant 0 : i32
        %cond3A_158 = arith.cmpi ne, %convert_element_type3A_156, %cond3A_157 : i32
        scf.if %cond3A_158 {
          %mul3A_194 = arith.constant 16 : i32
          %mul3A_195 = arith.muli %scan3A_70, %mul3A_194 : i32
          %add3A_196 = arith.constant 10 : i32
          %add3A_197 = arith.addi %mul3A_195, %add3A_196 : i32
          %mul3A_198 = arith.constant 48 : i32
          %mul3A_199 = arith.muli %add3A_197, %mul3A_198 : i32
          %add3A_200 = arith.constant 0 : i32
          %add3A_201 = arith.addi %mul3A_199, %add3A_200 : i32
          %swap3A = arith.index_cast %add3A_201 : i32 to index
          %swap3A_202 = tpu.vector_load %arg7[%swap3A] {strides = array<i32>} : memref<49152xf32, #tpu.memory_space<vmem>>, vector<16xf32>,
          tpu.vector_store %arg7[%swap3A], %broadcast_in_dim3A_1 {strides = array<i32>} : memref<49152xf32, #tpu.memory_space<vmem>>, vector<16xf32>,
          %add3A_203 = arith.constant 16 : i32
          %add3A_204 = arith.addi %mul3A_199, %add3A_203 : i32
          %swap3A_205 = arith.index_cast %add3A_204 : i32 to index
          %swap3A_206 = tpu.vector_load %arg7[%swap3A_205] {strides = array<i32>} : memref<49152xf32, #tpu.memory_space<vmem>>, vector<16xf32>,
          tpu.vector_store %arg7[%swap3A_205], %broadcast_in_dim3A_1 {strides = array<i32>} : memref<49152xf32, #tpu.memory_space<vmem>>, vector<16xf32>,
          %add3A_207 = arith.constant 32 : i32
          %add3A_208 = arith.addi %mul3A_199, %add3A_207 : i32
          %swap3A_209 = arith.index_cast %add3A_208 : i32 to index
          %swap3A_210 = tpu.vector_load %arg7[%swap3A_209] {strides = array<i32>} : memref<49152xf32, #tpu.memory_space<vmem>>, vector<16xf32>,
          tpu.vector_store %arg7[%swap3A_209], %broadcast_in_dim3A_1 {strides = array<i32>} : memref<49152xf32, #tpu.memory_space<vmem>>, vector<16xf32>,
        } else {
        }
        %slice3A_159 = vector.extract_strided_slice %get3A_75 {offsets = [11], sizes = [1], strides = [1]} : vector<16xi32> to vector<1xi32>
        %squeeze3A_160 = vector.extract %slice3A_159[0] : i32 from vector<1xi32>
        %gt3A_161 = arith.constant 48 : i32
        %gt3A_162 = arith.cmpi sgt, %squeeze3A_160, %gt3A_161 : i32
        %convert_element_type3A_163 = arith.extui %gt3A_162 : i1 to i32
        %cond3A_164 = arith.constant 0 : i32
        %cond3A_165 = arith.cmpi ne, %convert_element_type3A_163, %cond3A_164 : i32
        scf.if %cond3A_165 {
          %mul3A_194 = arith.constant 16 : i32
          %mul3A_195 = arith.muli %scan3A_70, %mul3A_194 : i32
          %add3A_196 = arith.constant 11 : i32
          %add3A_197 = arith.addi %mul3A_195, %add3A_196 : i32
          %mul3A_198 = arith.constant 48 : i32
          %mul3A_199 = arith.muli %add3A_197, %mul3A_198 : i32
          %add3A_200 = arith.constant 0 : i32
          %add3A_201 = arith.addi %mul3A_199, %add3A_200 : i32
          %swap3A = arith.index_cast %add3A_201 : i32 to index
          %swap3A_202 = tpu.vector_load %arg7[%swap3A] {strides = array<i32>} : memref<49152xf32, #tpu.memory_space<vmem>>, vector<16xf32>,
          tpu.vector_store %arg7[%swap3A], %broadcast_in_dim3A_1 {strides = array<i32>} : memref<49152xf32, #tpu.memory_space<vmem>>, vector<16xf32>,
          %add3A_203 = arith.constant 16 : i32
          %add3A_204 = arith.addi %mul3A_199, %add3A_203 : i32
          %swap3A_205 = arith.index_cast %add3A_204 : i32 to index
          %swap3A_206 = tpu.vector_load %arg7[%swap3A_205] {strides = array<i32>} : memref<49152xf32, #tpu.memory_space<vmem>>, vector<16xf32>,
          tpu.vector_store %arg7[%swap3A_205], %broadcast_in_dim3A_1 {strides = array<i32>} : memref<49152xf32, #tpu.memory_space<vmem>>, vector<16xf32>,
          %add3A_207 = arith.constant 32 : i32
          %add3A_208 = arith.addi %mul3A_199, %add3A_207 : i32
          %swap3A_209 = arith.index_cast %add3A_208 : i32 to index
          %swap3A_210 = tpu.vector_load %arg7[%swap3A_209] {strides = array<i32>} : memref<49152xf32, #tpu.memory_space<vmem>>, vector<16xf32>,
          tpu.vector_store %arg7[%swap3A_209], %broadcast_in_dim3A_1 {strides = array<i32>} : memref<49152xf32, #tpu.memory_space<vmem>>, vector<16xf32>,
        } else {
        }
        %slice3A_166 = vector.extract_strided_slice %get3A_75 {offsets = [12], sizes = [1], strides = [1]} : vector<16xi32> to vector<1xi32>
        %squeeze3A_167 = vector.extract %slice3A_166[0] : i32 from vector<1xi32>
        %gt3A_168 = arith.constant 48 : i32
        %gt3A_169 = arith.cmpi sgt, %squeeze3A_167, %gt3A_168 : i32
        %convert_element_type3A_170 = arith.extui %gt3A_169 : i1 to i32
        %cond3A_171 = arith.constant 0 : i32
        %cond3A_172 = arith.cmpi ne, %convert_element_type3A_170, %cond3A_171 : i32
        scf.if %cond3A_172 {
          %mul3A_194 = arith.constant 16 : i32
          %mul3A_195 = arith.muli %scan3A_70, %mul3A_194 : i32
          %add3A_196 = arith.constant 12 : i32
          %add3A_197 = arith.addi %mul3A_195, %add3A_196 : i32
          %mul3A_198 = arith.constant 48 : i32
          %mul3A_199 = arith.muli %add3A_197, %mul3A_198 : i32
          %add3A_200 = arith.constant 0 : i32
          %add3A_201 = arith.addi %mul3A_199, %add3A_200 : i32
          %swap3A = arith.index_cast %add3A_201 : i32 to index
          %swap3A_202 = tpu.vector_load %arg7[%swap3A] {strides = array<i32>} : memref<49152xf32, #tpu.memory_space<vmem>>, vector<16xf32>,
          tpu.vector_store %arg7[%swap3A], %broadcast_in_dim3A_1 {strides = array<i32>} : memref<49152xf32, #tpu.memory_space<vmem>>, vector<16xf32>,
          %add3A_203 = arith.constant 16 : i32
          %add3A_204 = arith.addi %mul3A_199, %add3A_203 : i32
          %swap3A_205 = arith.index_cast %add3A_204 : i32 to index
          %swap3A_206 = tpu.vector_load %arg7[%swap3A_205] {strides = array<i32>} : memref<49152xf32, #tpu.memory_space<vmem>>, vector<16xf32>,
          tpu.vector_store %arg7[%swap3A_205], %broadcast_in_dim3A_1 {strides = array<i32>} : memref<49152xf32, #tpu.memory_space<vmem>>, vector<16xf32>,
          %add3A_207 = arith.constant 32 : i32
          %add3A_208 = arith.addi %mul3A_199, %add3A_207 : i32
          %swap3A_209 = arith.index_cast %add3A_208 : i32 to index
          %swap3A_210 = tpu.vector_load %arg7[%swap3A_209] {strides = array<i32>} : memref<49152xf32, #tpu.memory_space<vmem>>, vector<16xf32>,
          tpu.vector_store %arg7[%swap3A_209], %broadcast_in_dim3A_1 {strides = array<i32>} : memref<49152xf32, #tpu.memory_space<vmem>>, vector<16xf32>,
        } else {
        }
        %slice3A_173 = vector.extract_strided_slice %get3A_75 {offsets = [13], sizes = [1], strides = [1]} : vector<16xi32> to vector<1xi32>
        %squeeze3A_174 = vector.extract %slice3A_173[0] : i32 from vector<1xi32>
        %gt3A_175 = arith.constant 48 : i32
        %gt3A_176 = arith.cmpi sgt, %squeeze3A_174, %gt3A_175 : i32
        %convert_element_type3A_177 = arith.extui %gt3A_176 : i1 to i32
        %cond3A_178 = arith.constant 0 : i32
        %cond3A_179 = arith.cmpi ne, %convert_element_type3A_177, %cond3A_178 : i32
        scf.if %cond3A_179 {
          %mul3A_194 = arith.constant 16 : i32
          %mul3A_195 = arith.muli %scan3A_70, %mul3A_194 : i32
          %add3A_196 = arith.constant 13 : i32
          %add3A_197 = arith.addi %mul3A_195, %add3A_196 : i32
          %mul3A_198 = arith.constant 48 : i32
          %mul3A_199 = arith.muli %add3A_197, %mul3A_198 : i32
          %add3A_200 = arith.constant 0 : i32
          %add3A_201 = arith.addi %mul3A_199, %add3A_200 : i32
          %swap3A = arith.index_cast %add3A_201 : i32 to index
          %swap3A_202 = tpu.vector_load %arg7[%swap3A] {strides = array<i32>} : memref<49152xf32, #tpu.memory_space<vmem>>, vector<16xf32>,
          tpu.vector_store %arg7[%swap3A], %broadcast_in_dim3A_1 {strides = array<i32>} : memref<49152xf32, #tpu.memory_space<vmem>>, vector<16xf32>,
          %add3A_203 = arith.constant 16 : i32
          %add3A_204 = arith.addi %mul3A_199, %add3A_203 : i32
          %swap3A_205 = arith.index_cast %add3A_204 : i32 to index
          %swap3A_206 = tpu.vector_load %arg7[%swap3A_205] {strides = array<i32>} : memref<49152xf32, #tpu.memory_space<vmem>>, vector<16xf32>,
          tpu.vector_store %arg7[%swap3A_205], %broadcast_in_dim3A_1 {strides = array<i32>} : memref<49152xf32, #tpu.memory_space<vmem>>, vector<16xf32>,
          %add3A_207 = arith.constant 32 : i32
          %add3A_208 = arith.addi %mul3A_199, %add3A_207 : i32
          %swap3A_209 = arith.index_cast %add3A_208 : i32 to index
          %swap3A_210 = tpu.vector_load %arg7[%swap3A_209] {strides = array<i32>} : memref<49152xf32, #tpu.memory_space<vmem>>, vector<16xf32>,
          tpu.vector_store %arg7[%swap3A_209], %broadcast_in_dim3A_1 {strides = array<i32>} : memref<49152xf32, #tpu.memory_space<vmem>>, vector<16xf32>,
        } else {
        }
        %slice3A_180 = vector.extract_strided_slice %get3A_75 {offsets = [14], sizes = [1], strides = [1]} : vector<16xi32> to vector<1xi32>
        %squeeze3A_181 = vector.extract %slice3A_180[0] : i32 from vector<1xi32>
        %gt3A_182 = arith.constant 48 : i32
        %gt3A_183 = arith.cmpi sgt, %squeeze3A_181, %gt3A_182 : i32
        %convert_element_type3A_184 = arith.extui %gt3A_183 : i1 to i32
        %cond3A_185 = arith.constant 0 : i32
        %cond3A_186 = arith.cmpi ne, %convert_element_type3A_184, %cond3A_185 : i32
        scf.if %cond3A_186 {
          %mul3A_194 = arith.constant 16 : i32
          %mul3A_195 = arith.muli %scan3A_70, %mul3A_194 : i32
          %add3A_196 = arith.constant 14 : i32
          %add3A_197 = arith.addi %mul3A_195, %add3A_196 : i32
          %mul3A_198 = arith.constant 48 : i32
          %mul3A_199 = arith.muli %add3A_197, %mul3A_198 : i32
          %add3A_200 = arith.constant 0 : i32
          %add3A_201 = arith.addi %mul3A_199, %add3A_200 : i32
          %swap3A = arith.index_cast %add3A_201 : i32 to index
          %swap3A_202 = tpu.vector_load %arg7[%swap3A] {strides = array<i32>} : memref<49152xf32, #tpu.memory_space<vmem>>, vector<16xf32>,
          tpu.vector_store %arg7[%swap3A], %broadcast_in_dim3A_1 {strides = array<i32>} : memref<49152xf32, #tpu.memory_space<vmem>>, vector<16xf32>,
          %add3A_203 = arith.constant 16 : i32
          %add3A_204 = arith.addi %mul3A_199, %add3A_203 : i32
          %swap3A_205 = arith.index_cast %add3A_204 : i32 to index
          %swap3A_206 = tpu.vector_load %arg7[%swap3A_205] {strides = array<i32>} : memref<49152xf32, #tpu.memory_space<vmem>>, vector<16xf32>,
          tpu.vector_store %arg7[%swap3A_205], %broadcast_in_dim3A_1 {strides = array<i32>} : memref<49152xf32, #tpu.memory_space<vmem>>, vector<16xf32>,
          %add3A_207 = arith.constant 32 : i32
          %add3A_208 = arith.addi %mul3A_199, %add3A_207 : i32
          %swap3A_209 = arith.index_cast %add3A_208 : i32 to index
          %swap3A_210 = tpu.vector_load %arg7[%swap3A_209] {strides = array<i32>} : memref<49152xf32, #tpu.memory_space<vmem>>, vector<16xf32>,
          tpu.vector_store %arg7[%swap3A_209], %broadcast_in_dim3A_1 {strides = array<i32>} : memref<49152xf32, #tpu.memory_space<vmem>>, vector<16xf32>,
        } else {
        }
        %slice3A_187 = vector.extract_strided_slice %get3A_75 {offsets = [15], sizes = [1], strides = [1]} : vector<16xi32> to vector<1xi32>
        %squeeze3A_188 = vector.extract %slice3A_187[0] : i32 from vector<1xi32>
        %gt3A_189 = arith.constant 48 : i32
        %gt3A_190 = arith.cmpi sgt, %squeeze3A_188, %gt3A_189 : i32
        %convert_element_type3A_191 = arith.extui %gt3A_190 : i1 to i32
        %cond3A_192 = arith.constant 0 : i32
        %cond3A_193 = arith.cmpi ne, %convert_element_type3A_191, %cond3A_192 : i32
        scf.if %cond3A_193 {
          %mul3A_194 = arith.constant 16 : i32
          %mul3A_195 = arith.muli %scan3A_70, %mul3A_194 : i32
          %add3A_196 = arith.constant 15 : i32
          %add3A_197 = arith.addi %mul3A_195, %add3A_196 : i32
          %mul3A_198 = arith.constant 48 : i32
          %mul3A_199 = arith.muli %add3A_197, %mul3A_198 : i32
          %add3A_200 = arith.constant 0 : i32
          %add3A_201 = arith.addi %mul3A_199, %add3A_200 : i32
          %swap3A = arith.index_cast %add3A_201 : i32 to index
          %swap3A_202 = tpu.vector_load %arg7[%swap3A] {strides = array<i32>} : memref<49152xf32, #tpu.memory_space<vmem>>, vector<16xf32>,
          tpu.vector_store %arg7[%swap3A], %broadcast_in_dim3A_1 {strides = array<i32>} : memref<49152xf32, #tpu.memory_space<vmem>>, vector<16xf32>,
          %add3A_203 = arith.constant 16 : i32
          %add3A_204 = arith.addi %mul3A_199, %add3A_203 : i32
          %swap3A_205 = arith.index_cast %add3A_204 : i32 to index
          %swap3A_206 = tpu.vector_load %arg7[%swap3A_205] {strides = array<i32>} : memref<49152xf32, #tpu.memory_space<vmem>>, vector<16xf32>,
          tpu.vector_store %arg7[%swap3A_205], %broadcast_in_dim3A_1 {strides = array<i32>} : memref<49152xf32, #tpu.memory_space<vmem>>, vector<16xf32>,
          %add3A_207 = arith.constant 32 : i32
          %add3A_208 = arith.addi %mul3A_199, %add3A_207 : i32
          %swap3A_209 = arith.index_cast %add3A_208 : i32 to index
          %swap3A_210 = tpu.vector_load %arg7[%swap3A_209] {strides = array<i32>} : memref<49152xf32, #tpu.memory_space<vmem>>, vector<16xf32>,
          tpu.vector_store %arg7[%swap3A_209], %broadcast_in_dim3A_1 {strides = array<i32>} : memref<49152xf32, #tpu.memory_space<vmem>>, vector<16xf32>,
        } else {
        }
      } else {
      }
      %scan3A_81 = arith.constant 0 : i32
      scf.yield %scan3A_81 : i32
    }
    %scan3A_63 = arith.constant 64 : i32
    %scan3A_64 = arith.constant 0 : i32
    %scan3A_65 = arith.constant 1024 : i32
    %scan3A_66 = arith.addi %scan3A_64, %scan3A_65 : i32
    %scan3A_67 = arith.constant 2 : i32
    %scan3A_68 = scf.for %scan3A_70 = %scan3A_64 to %scan3A_66 step %scan3A_67 iter_args(%scan3A_71 = %reduce_max3A_14) -> (i32)  : i32 {
      %mul3A_72 = arith.constant 48 : i32
      %mul3A_73 = arith.muli %scan3A_71, %mul3A_72 : i32
      %broadcast_in_dim3A_74 = arith.constant 1.000000e+06 : f32
      %broadcast_in_dim3A_75 = vector.broadcast %broadcast_in_dim3A_74 : f32 to vector<16xf32>
      %broadcast_in_dim3A_76 = arith.constant 1073741824 : i32
      %broadcast_in_dim3A_77 = vector.broadcast %broadcast_in_dim3A_76 : i32 to vector<16xi32>
      %add3A_78 = arith.constant 0 : i32
      %add3A_79 = arith.addi %mul3A_73, %add3A_78 : i32
      %get3A_80 = arith.index_cast %add3A_79 : i32 to index
      %get3A_81 = tpu.vector_load %arg7[%get3A_80] {strides = array<i32>} : memref<49152xf32, #tpu.memory_space<vmem>>, vector<16xf32>,
      %add3A_82 = arith.constant 0 : i32
      %add3A_83 = arith.addi %mul3A_73, %add3A_82 : i32
      %get3A_84 = arith.index_cast %add3A_83 : i32 to index
      %get3A_85 = tpu.vector_load %arg8[%get3A_84] {strides = array<i32>} : memref<49152xi32, #tpu.memory_space<vmem>>, vector<16xi32>,
      %gather3A = tpu.vector_load_idx %arg10[%get3A_85] : memref<1024xf32, #tpu.memory_space<vmem>>[vector<16xi32>], vector<16xf32>,
      %add3A_86 = arith.addf %get3A_81, %gather3A : vector<16xf32>
      %lt3A = arith.cmpf olt, %add3A_86, %broadcast_in_dim3A_75 : vector<16xf32>
      %select_n3A_87 = arith.select %lt3A, %add3A_86, %broadcast_in_dim3A_75 : vector<16xi1>, vector<16xf32>
      %select_n3A_88 = arith.select %lt3A, %get3A_85, %broadcast_in_dim3A_77 : vector<16xi1>, vector<16xi32>
      %add3A_89 = arith.constant 16 : i32
      %add3A_90 = arith.addi %mul3A_73, %add3A_89 : i32
      %get3A_91 = arith.index_cast %add3A_90 : i32 to index
      %get3A_92 = tpu.vector_load %arg7[%get3A_91] {strides = array<i32>} : memref<49152xf32, #tpu.memory_space<vmem>>, vector<16xf32>,
      %add3A_93 = arith.constant 16 : i32
      %add3A_94 = arith.addi %mul3A_73, %add3A_93 : i32
      %get3A_95 = arith.index_cast %add3A_94 : i32 to index
      %get3A_96 = tpu.vector_load %arg8[%get3A_95] {strides = array<i32>} : memref<49152xi32, #tpu.memory_space<vmem>>, vector<16xi32>,
      %gather3A_97 = tpu.vector_load_idx %arg10[%get3A_96] : memref<1024xf32, #tpu.memory_space<vmem>>[vector<16xi32>], vector<16xf32>,
      %add3A_98 = arith.addf %get3A_92, %gather3A_97 : vector<16xf32>
      %lt3A_99 = arith.cmpf olt, %add3A_98, %select_n3A_87 : vector<16xf32>
      %select_n3A_100 = arith.select %lt3A_99, %add3A_98, %select_n3A_87 : vector<16xi1>, vector<16xf32>
      %select_n3A_101 = arith.select %lt3A_99, %get3A_96, %select_n3A_88 : vector<16xi1>, vector<16xi32>
      %add3A_102 = arith.constant 32 : i32
      %add3A_103 = arith.addi %mul3A_73, %add3A_102 : i32
      %get3A_104 = arith.index_cast %add3A_103 : i32 to index
      %get3A_105 = tpu.vector_load %arg7[%get3A_104] {strides = array<i32>} : memref<49152xf32, #tpu.memory_space<vmem>>, vector<16xf32>,
      %add3A_106 = arith.constant 32 : i32
      %add3A_107 = arith.addi %mul3A_73, %add3A_106 : i32
      %get3A_108 = arith.index_cast %add3A_107 : i32 to index
      %get3A_109 = tpu.vector_load %arg8[%get3A_108] {strides = array<i32>} : memref<49152xi32, #tpu.memory_space<vmem>>, vector<16xi32>,
      %gather3A_110 = tpu.vector_load_idx %arg10[%get3A_109] : memref<1024xf32, #tpu.memory_space<vmem>>[vector<16xi32>], vector<16xf32>,
      %add3A_111 = arith.addf %get3A_105, %gather3A_110 : vector<16xf32>
      %lt3A_112 = arith.cmpf olt, %add3A_111, %select_n3A_100 : vector<16xf32>
      %select_n3A_113 = arith.select %lt3A_112, %add3A_111, %select_n3A_100 : vector<16xi1>, vector<16xf32>
      %select_n3A_114 = arith.select %lt3A_112, %get3A_109, %select_n3A_101 : vector<16xi1>, vector<16xi32>
      %reduce_min3A = arith.constant true
      %reduce_min3A_115 = vector.broadcast %reduce_min3A : i1 to vector<16xi1>
      %reduce_min3A_116 = tpu.scan <min>, %select_n3A_113 masked %reduce_min3A_115 : vector<16xf32>, vector<16xi1> -> vector<16xf32>
      %reduce_min3A_117 = vector.extract %reduce_min3A_116[15] : f32 from vector<16xf32>
      %eq3A_118 = vector.broadcast %reduce_min3A_117 : f32 to vector<16xf32>
      %eq3A_119 = arith.cmpf oeq, %select_n3A_113, %eq3A_118 : vector<16xf32>
      %jit3A_120 = arith.constant 1073741824 : i32
      %broadcast_in_dim3A_121 = vector.broadcast %jit3A_120 : i32 to vector<16xi32>
      %select_n3A_122 = arith.select %eq3A_119, %select_n3A_114, %broadcast_in_dim3A_121 : vector<16xi1>, vector<16xi32>
      %reduce_min3A_123 = arith.constant true
      %reduce_min3A_124 = vector.broadcast %reduce_min3A_123 : i1 to vector<16xi1>
      %reduce_min3A_125 = arith.constant -2147483648 : i32
      %reduce_min3A_126 = vector.broadcast %reduce_min3A_125 : i32 to vector<16xi32>
      %reduce_min3A_127 = arith.xori %select_n3A_122, %reduce_min3A_126 : vector<16xi32>
      %reduce_min3A_128 = tpu.scan <min>, %reduce_min3A_127 masked %reduce_min3A_124 : vector<16xi32>, vector<16xi1> -> vector<16xi32>
      %reduce_min3A_129 = arith.xori %reduce_min3A_128, %reduce_min3A_126 : vector<16xi32>
      %reduce_min3A_130 = vector.extract %reduce_min3A_129[15] : i32 from vector<16xi32>
      %lt3A_131 = arith.constant 1073741824 : i32
      %lt3A_132 = arith.cmpi slt, %reduce_min3A_130, %lt3A_131 : i32
      %convert_element_type3A = arith.extui %lt3A_132 : i1 to i32
      %cond3A = arith.constant 0 : i32
      %cond3A_133 = arith.cmpi ne, %convert_element_type3A, %cond3A : i32
      %cond3A_134 = scf.if %cond3A_133 -> (i32) {
        scf.yield %reduce_min3A_130 : i32
      } else {
        "tpu.region"() ({
          %run_scoped3A = tpu.sem_alloc : memref<!tpu.dma_semaphore, #tpu.memory_space<semaphore_mem>>
          %dma_start3A_245 = arith.constant 0 : i32
          %dma_start3A_246 = tpu.memref_slice %arg2[%add3A, %scan3A_71, %dma_start3A_245] : memref<32x1024x1024xf32, #tpu.memory_space<hbm>> -> memref<1x1x1024xf32, #tpu.memory_space<hbm>>
          %dma_start3A_247 = tpu.memref_squeeze %dma_start3A_246 : memref<1x1x1024xf32, #tpu.memory_space<hbm>> -> memref<1024xf32, #tpu.memory_space<hbm>>
          %dma_start3A_248 = arith.constant 0 : i32
          %dma_start3A_249 = tpu.memref_slice %arg2[%add3A, %scan3A_71, %dma_start3A_248] : memref<32x1024x1024xf32, #tpu.memory_space<hbm>> -> memref<1x1x1024xf32, #tpu.memory_space<hbm>>
          %dma_start3A_250 = tpu.memref_squeeze %dma_start3A_249 : memref<1x1x1024xf32, #tpu.memory_space<hbm>> -> memref<1024xf32, #tpu.memory_space<hbm>>
          tpu.enqueue_dma source(%dma_start3A_250 : memref<1024xf32, #tpu.memory_space<hbm>>) target(%arg12 : memref<1024xf32, #tpu.memory_space<vmem>>) target_semaphore(%run_scoped3A : memref<!tpu.dma_semaphore, #tpu.memory_space<semaphore_mem>>)
          %dma_wait3A = arith.constant 0 : i32
          %dma_wait3A_251 = tpu.memref_slice %arg2[%add3A, %scan3A_71, %dma_wait3A] : memref<32x1024x1024xf32, #tpu.memory_space<hbm>> -> memref<1x1x1024xf32, #tpu.memory_space<hbm>>
          %dma_wait3A_252 = tpu.memref_squeeze %dma_wait3A_251 : memref<1x1x1024xf32, #tpu.memory_space<hbm>> -> memref<1024xf32, #tpu.memory_space<hbm>>
          %dma_wait3A_253 = arith.constant 0 : i32
          %dma_wait3A_254 = tpu.memref_slice %arg2[%add3A, %scan3A_71, %dma_wait3A_253] : memref<32x1024x1024xf32, #tpu.memory_space<hbm>> -> memref<1x1x1024xf32, #tpu.memory_space<hbm>>
          %dma_wait3A_255 = tpu.memref_squeeze %dma_wait3A_254 : memref<1x1x1024xf32, #tpu.memory_space<hbm>> -> memref<1024xf32, #tpu.memory_space<hbm>>
          tpu.wait_dma2 semaphore(%run_scoped3A : memref<!tpu.dma_semaphore, #tpu.memory_space<semaphore_mem>>) src(%dma_wait3A_255 : memref<1024xf32, #tpu.memory_space<hbm>>) dst(%arg12 : memref<1024xf32, #tpu.memory_space<vmem>>)
          tpu.yield
        }) : () -> ()
        %broadcast_in_dim3A_220 = arith.constant 3.000000e+06 : f32
        %broadcast_in_dim3A_221 = vector.broadcast %broadcast_in_dim3A_220 : f32 to vector<16xf32>
        %broadcast_in_dim3A_222 = arith.constant 0 : i32
        %broadcast_in_dim3A_223 = vector.broadcast %broadcast_in_dim3A_222 : i32 to vector<16xi32>
        %parallel_loop3A_224 = arith.constant 0 : i32
        %parallel_loop3A_225 = arith.constant 64 : i32
        %parallel_loop3A_226 = arith.constant 1 : i32
        %parallel_loop3A_227:2 = scf.for %parallel_loop3A_245 = %parallel_loop3A_224 to %parallel_loop3A_225 step %parallel_loop3A_226 iter_args(%parallel_loop3A_246 = %broadcast_in_dim3A_221, %parallel_loop3A_247 = %broadcast_in_dim3A_223) -> (vector<16xf32>, vector<16xi32>)  : i32 {
          %parallel_loop3A_248 = arith.constant 16 : i32
          %parallel_loop3A_249 = arith.muli %parallel_loop3A_245, %parallel_loop3A_248 : i32
          %parallel_loop3A_250 = arith.index_cast %parallel_loop3A_249 : i32 to index
          %parallel_loop3A_251 = tpu.vector_load %arg12[%parallel_loop3A_250] {strides = array<i32>} : memref<1024xf32, #tpu.memory_space<vmem>>, vector<16xf32>,
          %parallel_loop3A_252 = arith.index_cast %parallel_loop3A_249 : i32 to index
          %parallel_loop3A_253 = tpu.vector_load %arg10[%parallel_loop3A_252] {strides = array<i32>} : memref<1024xf32, #tpu.memory_space<vmem>>, vector<16xf32>,
          %parallel_loop3A_254 = arith.constant 0.000000e+00 : f32
          %parallel_loop3A_255 = vector.broadcast %parallel_loop3A_254 : f32 to vector<16xf32>
          %parallel_loop3A_256 = arith.cmpf one, %parallel_loop3A_253, %parallel_loop3A_255 : vector<16xf32>
          %parallel_loop3A_257 = arith.constant 1.000000e+06 : f32
          %parallel_loop3A_258 = vector.broadcast %parallel_loop3A_257 : f32 to vector<16xf32>
          %parallel_loop3A_259 = arith.select %parallel_loop3A_256, %parallel_loop3A_258, %parallel_loop3A_251 : vector<16xi1>, vector<16xf32>
          %parallel_loop3A_260 = arith.cmpf olt, %parallel_loop3A_259, %parallel_loop3A_246 : vector<16xf32>
          %parallel_loop3A_261 = arith.select %parallel_loop3A_260, %parallel_loop3A_259, %parallel_loop3A_246 : vector<16xi1>, vector<16xf32>
          %parallel_loop3A_262 = vector.broadcast %parallel_loop3A_249 : i32 to vector<16xi32>
          %parallel_loop3A_263 = arith.addi %iota3A, %parallel_loop3A_262 : vector<16xi32>
          %parallel_loop3A_264 = arith.select %parallel_loop3A_260, %parallel_loop3A_263, %parallel_loop3A_247 : vector<16xi1>, vector<16xi32>
          scf.yield %parallel_loop3A_261, %parallel_loop3A_264 : vector<16xf32>, vector<16xi32>
        } {sc.loop_unroll_factor = 8 : i64, sc.parallel_access}
        %reduce_min3A_228 = arith.constant true
        %reduce_min3A_229 = vector.broadcast %reduce_min3A_228 : i1 to vector<16xi1>
        %reduce_min3A_230 = tpu.scan <min>, %parallel_loop3A_227#0 masked %reduce_min3A_229 : vector<16xf32>, vector<16xi1> -> vector<16xf32>
        %reduce_min3A_231 = vector.extract %reduce_min3A_230[15] : f32 from vector<16xf32>
        %eq3A_232 = vector.broadcast %reduce_min3A_231 : f32 to vector<16xf32>
        %eq3A_233 = arith.cmpf oeq, %parallel_loop3A_227#0, %eq3A_232 : vector<16xf32>
        %jit3A_234 = arith.constant 1073741824 : i32
        %broadcast_in_dim3A_235 = vector.broadcast %jit3A_234 : i32 to vector<16xi32>
        %select_n3A_236 = arith.select %eq3A_233, %parallel_loop3A_227#1, %broadcast_in_dim3A_235 : vector<16xi1>, vector<16xi32>
        %reduce_min3A_237 = arith.constant true
        %reduce_min3A_238 = vector.broadcast %reduce_min3A_237 : i1 to vector<16xi1>
        %reduce_min3A_239 = arith.constant -2147483648 : i32
        %reduce_min3A_240 = vector.broadcast %reduce_min3A_239 : i32 to vector<16xi32>
        %reduce_min3A_241 = arith.xori %select_n3A_236, %reduce_min3A_240 : vector<16xi32>
        %reduce_min3A_242 = tpu.scan <min>, %reduce_min3A_241 masked %reduce_min3A_238 : vector<16xi32>, vector<16xi1> -> vector<16xi32>
        %reduce_min3A_243 = arith.xori %reduce_min3A_242, %reduce_min3A_240 : vector<16xi32>
        %reduce_min3A_244 = vector.extract %reduce_min3A_243[15] : i32 from vector<16xi32>
        scf.yield %reduce_min3A_244 : i32
      }
      %broadcast_in_dim3A_135 = vector.broadcast %cond3A_134 : i32 to vector<16xi32>
      %eq3A_136 = arith.constant 0 : i32
      %eq3A_137 = vector.broadcast %eq3A_136 : i32 to vector<16xi32>
      %eq3A_138 = arith.cmpi eq, %iota3A, %eq3A_137 : vector<16xi32>
      tpu.vector_store_idx %arg10[%broadcast_in_dim3A_135], %broadcast_in_dim3A_1 masked %eq3A_138 : memref<1024xf32, #tpu.memory_space<vmem>>[vector<16xi32>], vector<16xf32>, vector<16xi1>
      %lt3A_139 = arith.cmpi slt, %scan3A_70, %reduce_max3A_28 : i32
      %and3A = vector.broadcast %lt3A_139 : i1 to vector<16xi1>
      %and3A_140 = arith.andi %eq3A_138, %and3A : vector<16xi1>
      %broadcast_in_dim3A_141 = vector.broadcast %scan3A_70 : i32 to vector<16xi32>
      tpu.vector_store_idx %arg11[%broadcast_in_dim3A_141], %broadcast_in_dim3A_135 masked %and3A_140 : memref<1024xi32, #tpu.memory_space<vmem>>[vector<16xi32>], vector<16xi32>, vector<16xi1>
      %scan3A_142 = arith.constant 1 : i32
      %scan3A_143 = arith.addi %scan3A_70, %scan3A_142 : i32
      %mul3A_144 = arith.constant 48 : i32
      %mul3A_145 = arith.muli %cond3A_134, %mul3A_144 : i32
      %broadcast_in_dim3A_146 = arith.constant 1.000000e+06 : f32
      %broadcast_in_dim3A_147 = vector.broadcast %broadcast_in_dim3A_146 : f32 to vector<16xf32>
      %broadcast_in_dim3A_148 = arith.constant 1073741824 : i32
      %broadcast_in_dim3A_149 = vector.broadcast %broadcast_in_dim3A_148 : i32 to vector<16xi32>
      %add3A_150 = arith.constant 0 : i32
      %add3A_151 = arith.addi %mul3A_145, %add3A_150 : i32
      %get3A_152 = arith.index_cast %add3A_151 : i32 to index
      %get3A_153 = tpu.vector_load %arg7[%get3A_152] {strides = array<i32>} : memref<49152xf32, #tpu.memory_space<vmem>>, vector<16xf32>,
      %add3A_154 = arith.constant 0 : i32
      %add3A_155 = arith.addi %mul3A_145, %add3A_154 : i32
      %get3A_156 = arith.index_cast %add3A_155 : i32 to index
      %get3A_157 = tpu.vector_load %arg8[%get3A_156] {strides = array<i32>} : memref<49152xi32, #tpu.memory_space<vmem>>, vector<16xi32>,
      %gather3A_158 = tpu.vector_load_idx %arg10[%get3A_157] : memref<1024xf32, #tpu.memory_space<vmem>>[vector<16xi32>], vector<16xf32>,
      %add3A_159 = arith.addf %get3A_153, %gather3A_158 : vector<16xf32>
      %lt3A_160 = arith.cmpf olt, %add3A_159, %broadcast_in_dim3A_147 : vector<16xf32>
      %select_n3A_161 = arith.select %lt3A_160, %add3A_159, %broadcast_in_dim3A_147 : vector<16xi1>, vector<16xf32>
      %select_n3A_162 = arith.select %lt3A_160, %get3A_157, %broadcast_in_dim3A_149 : vector<16xi1>, vector<16xi32>
      %add3A_163 = arith.constant 16 : i32
      %add3A_164 = arith.addi %mul3A_145, %add3A_163 : i32
      %get3A_165 = arith.index_cast %add3A_164 : i32 to index
      %get3A_166 = tpu.vector_load %arg7[%get3A_165] {strides = array<i32>} : memref<49152xf32, #tpu.memory_space<vmem>>, vector<16xf32>,
      %add3A_167 = arith.constant 16 : i32
      %add3A_168 = arith.addi %mul3A_145, %add3A_167 : i32
      %get3A_169 = arith.index_cast %add3A_168 : i32 to index
      %get3A_170 = tpu.vector_load %arg8[%get3A_169] {strides = array<i32>} : memref<49152xi32, #tpu.memory_space<vmem>>, vector<16xi32>,
      %gather3A_171 = tpu.vector_load_idx %arg10[%get3A_170] : memref<1024xf32, #tpu.memory_space<vmem>>[vector<16xi32>], vector<16xf32>,
      %add3A_172 = arith.addf %get3A_166, %gather3A_171 : vector<16xf32>
      %lt3A_173 = arith.cmpf olt, %add3A_172, %select_n3A_161 : vector<16xf32>
      %select_n3A_174 = arith.select %lt3A_173, %add3A_172, %select_n3A_161 : vector<16xi1>, vector<16xf32>
      %select_n3A_175 = arith.select %lt3A_173, %get3A_170, %select_n3A_162 : vector<16xi1>, vector<16xi32>
      %add3A_176 = arith.constant 32 : i32
      %add3A_177 = arith.addi %mul3A_145, %add3A_176 : i32
      %get3A_178 = arith.index_cast %add3A_177 : i32 to index
      %get3A_179 = tpu.vector_load %arg7[%get3A_178] {strides = array<i32>} : memref<49152xf32, #tpu.memory_space<vmem>>, vector<16xf32>,
      %add3A_180 = arith.constant 32 : i32
      %add3A_181 = arith.addi %mul3A_145, %add3A_180 : i32
      %get3A_182 = arith.index_cast %add3A_181 : i32 to index
      %get3A_183 = tpu.vector_load %arg8[%get3A_182] {strides = array<i32>} : memref<49152xi32, #tpu.memory_space<vmem>>, vector<16xi32>,
      %gather3A_184 = tpu.vector_load_idx %arg10[%get3A_183] : memref<1024xf32, #tpu.memory_space<vmem>>[vector<16xi32>], vector<16xf32>,
      %add3A_185 = arith.addf %get3A_179, %gather3A_184 : vector<16xf32>
      %lt3A_186 = arith.cmpf olt, %add3A_185, %select_n3A_174 : vector<16xf32>
      %select_n3A_187 = arith.select %lt3A_186, %add3A_185, %select_n3A_174 : vector<16xi1>, vector<16xf32>
      %select_n3A_188 = arith.select %lt3A_186, %get3A_183, %select_n3A_175 : vector<16xi1>, vector<16xi32>
      %reduce_min3A_189 = arith.constant true
      %reduce_min3A_190 = vector.broadcast %reduce_min3A_189 : i1 to vector<16xi1>
      %reduce_min3A_191 = tpu.scan <min>, %select_n3A_187 masked %reduce_min3A_190 : vector<16xf32>, vector<16xi1> -> vector<16xf32>
      %reduce_min3A_192 = vector.extract %reduce_min3A_191[15] : f32 from vector<16xf32>
      %eq3A_193 = vector.broadcast %reduce_min3A_192 : f32 to vector<16xf32>
      %eq3A_194 = arith.cmpf oeq, %select_n3A_187, %eq3A_193 : vector<16xf32>
      %jit3A_195 = arith.constant 1073741824 : i32
      %broadcast_in_dim3A_196 = vector.broadcast %jit3A_195 : i32 to vector<16xi32>
      %select_n3A_197 = arith.select %eq3A_194, %select_n3A_188, %broadcast_in_dim3A_196 : vector<16xi1>, vector<16xi32>
      %reduce_min3A_198 = arith.constant true
      %reduce_min3A_199 = vector.broadcast %reduce_min3A_198 : i1 to vector<16xi1>
      %reduce_min3A_200 = arith.constant -2147483648 : i32
      %reduce_min3A_201 = vector.broadcast %reduce_min3A_200 : i32 to vector<16xi32>
      %reduce_min3A_202 = arith.xori %select_n3A_197, %reduce_min3A_201 : vector<16xi32>
      %reduce_min3A_203 = tpu.scan <min>, %reduce_min3A_202 masked %reduce_min3A_199 : vector<16xi32>, vector<16xi1> -> vector<16xi32>
      %reduce_min3A_204 = arith.xori %reduce_min3A_203, %reduce_min3A_201 : vector<16xi32>
      %reduce_min3A_205 = vector.extract %reduce_min3A_204[15] : i32 from vector<16xi32>
      %lt3A_206 = arith.constant 1073741824 : i32
      %lt3A_207 = arith.cmpi slt, %reduce_min3A_205, %lt3A_206 : i32
      %convert_element_type3A_208 = arith.extui %lt3A_207 : i1 to i32
      %cond3A_209 = arith.constant 0 : i32
      %cond3A_210 = arith.cmpi ne, %convert_element_type3A_208, %cond3A_209 : i32
      %cond3A_211 = scf.if %cond3A_210 -> (i32) {
        scf.yield %reduce_min3A_205 : i32
      } else {
        "tpu.region"() ({
          %run_scoped3A = tpu.sem_alloc : memref<!tpu.dma_semaphore, #tpu.memory_space<semaphore_mem>>
          %dma_start3A_245 = arith.constant 0 : i32
          %dma_start3A_246 = tpu.memref_slice %arg2[%add3A, %cond3A_134, %dma_start3A_245] : memref<32x1024x1024xf32, #tpu.memory_space<hbm>> -> memref<1x1x1024xf32, #tpu.memory_space<hbm>>
          %dma_start3A_247 = tpu.memref_squeeze %dma_start3A_246 : memref<1x1x1024xf32, #tpu.memory_space<hbm>> -> memref<1024xf32, #tpu.memory_space<hbm>>
          %dma_start3A_248 = arith.constant 0 : i32
          %dma_start3A_249 = tpu.memref_slice %arg2[%add3A, %cond3A_134, %dma_start3A_248] : memref<32x1024x1024xf32, #tpu.memory_space<hbm>> -> memref<1x1x1024xf32, #tpu.memory_space<hbm>>
          %dma_start3A_250 = tpu.memref_squeeze %dma_start3A_249 : memref<1x1x1024xf32, #tpu.memory_space<hbm>> -> memref<1024xf32, #tpu.memory_space<hbm>>
          tpu.enqueue_dma source(%dma_start3A_250 : memref<1024xf32, #tpu.memory_space<hbm>>) target(%arg12 : memref<1024xf32, #tpu.memory_space<vmem>>) target_semaphore(%run_scoped3A : memref<!tpu.dma_semaphore, #tpu.memory_space<semaphore_mem>>)
          %dma_wait3A = arith.constant 0 : i32
          %dma_wait3A_251 = tpu.memref_slice %arg2[%add3A, %cond3A_134, %dma_wait3A] : memref<32x1024x1024xf32, #tpu.memory_space<hbm>> -> memref<1x1x1024xf32, #tpu.memory_space<hbm>>
          %dma_wait3A_252 = tpu.memref_squeeze %dma_wait3A_251 : memref<1x1x1024xf32, #tpu.memory_space<hbm>> -> memref<1024xf32, #tpu.memory_space<hbm>>
          %dma_wait3A_253 = arith.constant 0 : i32
          %dma_wait3A_254 = tpu.memref_slice %arg2[%add3A, %cond3A_134, %dma_wait3A_253] : memref<32x1024x1024xf32, #tpu.memory_space<hbm>> -> memref<1x1x1024xf32, #tpu.memory_space<hbm>>
          %dma_wait3A_255 = tpu.memref_squeeze %dma_wait3A_254 : memref<1x1x1024xf32, #tpu.memory_space<hbm>> -> memref<1024xf32, #tpu.memory_space<hbm>>
          tpu.wait_dma2 semaphore(%run_scoped3A : memref<!tpu.dma_semaphore, #tpu.memory_space<semaphore_mem>>) src(%dma_wait3A_255 : memref<1024xf32, #tpu.memory_space<hbm>>) dst(%arg12 : memref<1024xf32, #tpu.memory_space<vmem>>)
          tpu.yield
        }) : () -> ()
        %broadcast_in_dim3A_220 = arith.constant 3.000000e+06 : f32
        %broadcast_in_dim3A_221 = vector.broadcast %broadcast_in_dim3A_220 : f32 to vector<16xf32>
        %broadcast_in_dim3A_222 = arith.constant 0 : i32
        %broadcast_in_dim3A_223 = vector.broadcast %broadcast_in_dim3A_222 : i32 to vector<16xi32>
        %parallel_loop3A_224 = arith.constant 0 : i32
        %parallel_loop3A_225 = arith.constant 64 : i32
        %parallel_loop3A_226 = arith.constant 1 : i32
        %parallel_loop3A_227:2 = scf.for %parallel_loop3A_245 = %parallel_loop3A_224 to %parallel_loop3A_225 step %parallel_loop3A_226 iter_args(%parallel_loop3A_246 = %broadcast_in_dim3A_221, %parallel_loop3A_247 = %broadcast_in_dim3A_223) -> (vector<16xf32>, vector<16xi32>)  : i32 {
          %parallel_loop3A_248 = arith.constant 16 : i32
          %parallel_loop3A_249 = arith.muli %parallel_loop3A_245, %parallel_loop3A_248 : i32
          %parallel_loop3A_250 = arith.index_cast %parallel_loop3A_249 : i32 to index
          %parallel_loop3A_251 = tpu.vector_load %arg12[%parallel_loop3A_250] {strides = array<i32>} : memref<1024xf32, #tpu.memory_space<vmem>>, vector<16xf32>,
          %parallel_loop3A_252 = arith.index_cast %parallel_loop3A_249 : i32 to index
          %parallel_loop3A_253 = tpu.vector_load %arg10[%parallel_loop3A_252] {strides = array<i32>} : memref<1024xf32, #tpu.memory_space<vmem>>, vector<16xf32>,
          %parallel_loop3A_254 = arith.constant 0.000000e+00 : f32
          %parallel_loop3A_255 = vector.broadcast %parallel_loop3A_254 : f32 to vector<16xf32>
          %parallel_loop3A_256 = arith.cmpf one, %parallel_loop3A_253, %parallel_loop3A_255 : vector<16xf32>
          %parallel_loop3A_257 = arith.constant 1.000000e+06 : f32
          %parallel_loop3A_258 = vector.broadcast %parallel_loop3A_257 : f32 to vector<16xf32>
          %parallel_loop3A_259 = arith.select %parallel_loop3A_256, %parallel_loop3A_258, %parallel_loop3A_251 : vector<16xi1>, vector<16xf32>
          %parallel_loop3A_260 = arith.cmpf olt, %parallel_loop3A_259, %parallel_loop3A_246 : vector<16xf32>
          %parallel_loop3A_261 = arith.select %parallel_loop3A_260, %parallel_loop3A_259, %parallel_loop3A_246 : vector<16xi1>, vector<16xf32>
          %parallel_loop3A_262 = vector.broadcast %parallel_loop3A_249 : i32 to vector<16xi32>
          %parallel_loop3A_263 = arith.addi %iota3A, %parallel_loop3A_262 : vector<16xi32>
          %parallel_loop3A_264 = arith.select %parallel_loop3A_260, %parallel_loop3A_263, %parallel_loop3A_247 : vector<16xi1>, vector<16xi32>
          scf.yield %parallel_loop3A_261, %parallel_loop3A_264 : vector<16xf32>, vector<16xi32>
        } {sc.loop_unroll_factor = 8 : i64, sc.parallel_access}
        %reduce_min3A_228 = arith.constant true
        %reduce_min3A_229 = vector.broadcast %reduce_min3A_228 : i1 to vector<16xi1>
        %reduce_min3A_230 = tpu.scan <min>, %parallel_loop3A_227#0 masked %reduce_min3A_229 : vector<16xf32>, vector<16xi1> -> vector<16xf32>
        %reduce_min3A_231 = vector.extract %reduce_min3A_230[15] : f32 from vector<16xf32>
        %eq3A_232 = vector.broadcast %reduce_min3A_231 : f32 to vector<16xf32>
        %eq3A_233 = arith.cmpf oeq, %parallel_loop3A_227#0, %eq3A_232 : vector<16xf32>
        %jit3A_234 = arith.constant 1073741824 : i32
        %broadcast_in_dim3A_235 = vector.broadcast %jit3A_234 : i32 to vector<16xi32>
        %select_n3A_236 = arith.select %eq3A_233, %parallel_loop3A_227#1, %broadcast_in_dim3A_235 : vector<16xi1>, vector<16xi32>
        %reduce_min3A_237 = arith.constant true
        %reduce_min3A_238 = vector.broadcast %reduce_min3A_237 : i1 to vector<16xi1>
        %reduce_min3A_239 = arith.constant -2147483648 : i32
        %reduce_min3A_240 = vector.broadcast %reduce_min3A_239 : i32 to vector<16xi32>
        %reduce_min3A_241 = arith.xori %select_n3A_236, %reduce_min3A_240 : vector<16xi32>
        %reduce_min3A_242 = tpu.scan <min>, %reduce_min3A_241 masked %reduce_min3A_238 : vector<16xi32>, vector<16xi1> -> vector<16xi32>
        %reduce_min3A_243 = arith.xori %reduce_min3A_242, %reduce_min3A_240 : vector<16xi32>
        %reduce_min3A_244 = vector.extract %reduce_min3A_243[15] : i32 from vector<16xi32>
        scf.yield %reduce_min3A_244 : i32
      }
      %broadcast_in_dim3A_212 = vector.broadcast %cond3A_211 : i32 to vector<16xi32>
      %eq3A_213 = arith.constant 0 : i32
      %eq3A_214 = vector.broadcast %eq3A_213 : i32 to vector<16xi32>
      %eq3A_215 = arith.cmpi eq, %iota3A, %eq3A_214 : vector<16xi32>
      tpu.vector_store_idx %arg10[%broadcast_in_dim3A_212], %broadcast_in_dim3A_1 masked %eq3A_215 : memref<1024xf32, #tpu.memory_space<vmem>>[vector<16xi32>], vector<16xf32>, vector<16xi1>
      %lt3A_216 = arith.cmpi slt, %scan3A_143, %reduce_max3A_28 : i32
      %and3A_217 = vector.broadcast %lt3A_216 : i1 to vector<16xi1>
      %and3A_218 = arith.andi %eq3A_215, %and3A_217 : vector<16xi1>
      %broadcast_in_dim3A_219 = vector.broadcast %scan3A_143 : i32 to vector<16xi32>
      tpu.vector_store_idx %arg11[%broadcast_in_dim3A_219], %broadcast_in_dim3A_212 masked %and3A_218 : memref<1024xi32, #tpu.memory_space<vmem>>[vector<16xi32>], vector<16xi32>, vector<16xi1>
      scf.yield %cond3A_211 : i32
    }
    %scan3A_69 = arith.constant 1024 : i32
    "tpu.region"() ({
      %run_scoped3A = tpu.sem_alloc : memref<!tpu.dma_semaphore, #tpu.memory_space<semaphore_mem>>
      %dma_start3A_70 = arith.constant 0 : i32
      %dma_start3A_71 = tpu.memref_slice %arg6[%add3A, %dma_start3A_70] : memref<32x1024xi32, #tpu.memory_space<hbm>> -> memref<1x1024xi32, #tpu.memory_space<hbm>>
      %dma_start3A_72 = tpu.memref_squeeze %dma_start3A_71 : memref<1x1024xi32, #tpu.memory_space<hbm>> -> memref<1024xi32, #tpu.memory_space<hbm>>
      %dma_start3A_73 = arith.constant 0 : i32
      %dma_start3A_74 = tpu.memref_slice %arg6[%add3A, %dma_start3A_73] : memref<32x1024xi32, #tpu.memory_space<hbm>> -> memref<1x1024xi32, #tpu.memory_space<hbm>>
      %dma_start3A_75 = tpu.memref_squeeze %dma_start3A_74 : memref<1x1024xi32, #tpu.memory_space<hbm>> -> memref<1024xi32, #tpu.memory_space<hbm>>
      tpu.enqueue_dma source(%arg11 : memref<1024xi32, #tpu.memory_space<vmem>>) target(%dma_start3A_75 : memref<1024xi32, #tpu.memory_space<hbm>>) target_semaphore(%run_scoped3A : memref<!tpu.dma_semaphore, #tpu.memory_space<semaphore_mem>>)
      %dma_wait3A = arith.constant 0 : i32
      %dma_wait3A_76 = tpu.memref_slice %arg6[%add3A, %dma_wait3A] : memref<32x1024xi32, #tpu.memory_space<hbm>> -> memref<1x1024xi32, #tpu.memory_space<hbm>>
      %dma_wait3A_77 = tpu.memref_squeeze %dma_wait3A_76 : memref<1x1024xi32, #tpu.memory_space<hbm>> -> memref<1024xi32, #tpu.memory_space<hbm>>
      %dma_wait3A_78 = arith.constant 0 : i32
      %dma_wait3A_79 = tpu.memref_slice %arg6[%add3A, %dma_wait3A_78] : memref<32x1024xi32, #tpu.memory_space<hbm>> -> memref<1x1024xi32, #tpu.memory_space<hbm>>
      %dma_wait3A_80 = tpu.memref_squeeze %dma_wait3A_79 : memref<1x1024xi32, #tpu.memory_space<hbm>> -> memref<1024xi32, #tpu.memory_space<hbm>>
      tpu.wait_dma2 semaphore(%run_scoped3A : memref<!tpu.dma_semaphore, #tpu.memory_space<semaphore_mem>>) src(%arg11 : memref<1024xi32, #tpu.memory_space<vmem>>) dst(%dma_wait3A_80 : memref<1024xi32, #tpu.memory_space<hbm>>)
      tpu.yield
    }) : () -> ()
    return
  }
}

</mosaic_0001>

<sc_bundles>
// kernel: kernel.3.cloned.1.call-start
scs
__scs_entry_jumppad:
0x0: {  	(pc) =	sbr.rel $0x88, $3  }
0x1: {  	(tag) =	ssettag $0x0;
	lr =	simm.s32 $0x1  }
0x2: {  	[smem:$0x3F9D] =	sst lr;
	_ =	strace $0xD0000000  }
0x3: {  	_ = 	snop  }
0x4: {  	_ = 	snop  }
0x5: {  	_ = 	snop  }
0x6: {  	_ = 	snop  }
0x7: {  	_ = 	snop  }
__scs_overlays_trampoline_lowered:
0x8: {  	[smem:$0x3FAC] =	sst s0  }
0x9: {  	[smem:$0x3FAD] =	sst s1  }
0xa: {  	[smem:$0x3FAE] =	sst s2  }
0xb: {  	[smem:$0x3FAF] =	sst s3  }
0xc: {  	[smem:$0x3FB0] =	sst s4  }
0xd: {  	[smem:$0x3FB1] =	sst s5  }
0xe: {  	[smem:$0x3FB2] =	sst s6  }
0xf: {  	[smem:$0x3FB3] =	sst s7  }
0x10: {  	[smem:$0x3FB4] =	sst s8  }
0x11: {  	[smem:$0x3FB5] =	sst s9;
	s0 =	simm.s32 @!p0 $0x0  }
0x12: {  	s1 =	sld [smem:$0x3F9B];
	s0 =	simm.s32 @p0 $0x1  }
0x13: {  	[smem:$0x3FB6] =	sst s0;
	s0 =	simm.s32 @!p1 $0x0  }
0x14: {  	s2 =	sld [smem:$0x3F9A];
	s0 =	simm.s32 @p1 $0x1  }
0x15: {  	[smem:$0x3FB7] =	sst s0;
	s0 =	simm.s32 @!p2 $0x0  }
0x16: {  	s3 =	sld [smem:$0x3FDB];
	s0 =	simm.s32 @p2 $0x1  }
0x17: {  	s4 =	simm.s32 $0x1BF5;
	[smem:$0x3FB9] =	sst s0  }
0x18: {  	s0 =	sld [smem:$0x3F9C];
	_ =	swait.ge [sflag:s4], $0x0  }
0x19: {  	s7 =	sld [smem:$0x3F9D]  }
0x1a: {  	s8 =	sadd.s32 $0xFFFFE003, lr  }
0x1b: {  	s9 =	sadd.s32 $0xFFFFFEF7, lr;
	s5 =	simm.s32 $0xFFFFFFFF;
	p2 =	slt.u32 s8, $0xFFFFF086  }
0x1c: {  	p1 =	slt.u32 s9, $0xF7A;
	s5 =	simm.s32 @!p2 $0x0  }
0x1d: {  	s5 =	simm.s32 @p1 $0x1;
	p0 =	seq.s32 s7, s2  }
0x1e: {  	s7 =	smul.u32 @!p0 $0xF7A, s2;
	p2 =	seq.s32 @!p0 s5, $0x0  }
0x1f: {  	s9 =	smul.u32 $0xF7A, s1;
	s8 =	simm.s32 @!p0 $0x1BF5;
	p2 =	por !p2, p0  }
0x20: {  	[sflag:s8] =	ssyncset.s32 @!p0 $0xFFFFF086;
	s6 =	sadd.s32 @!p0 s3, s7;
	s7 =	simm.s32 @!p0 $0x108  }
0x21: {  	s3 =	sadd.s32 s3, s9;
	s6 =	sadd.s32 @!p0 $0x88, s6;
	s7 =	simm.s32 @p2 $0x1082  }
0x22: {  	[simem:s7], [sflag:s8] =	dma.local @!p0 [hbm:s6], $0xF7A  }
0x23: {  	s9 =	sor.u32 $0xD0000000, s2;
	s6 =	simm.s32 $0x108;
	_ =	swait.ge @!p0 [sflag:s8], $0x0  }
0x24: {  	s3 =	sadd.s32 $0x88, s3;
	s6 =	simm.s32 @!p1 $0x1082;
	[sflag:s4] =	ssyncset.s32 $0xFFFFF086  }
0x25: {  	[simem:s6], [sflag:s4] =	dma.local [hbm:s3], $0xF7A  }
0x26: {  	[smem:$0x3F9D] =	sst s1;
	(tag) =	ssettag s2;
	_ =	strace s9  }
0x27: {  	s1 =	sld [smem:$0x3FAD]  }
0x28: {  	s2 =	sld [smem:$0x3FAE]  }
0x29: {  	s4 =	sld [smem:$0x3FB0]  }
0x2a: {  	p0 =	seq.s32 s5, $0x0;
	s5 =	sld [smem:$0x3FB1]  }
0x2b: {  	s6 =	sld [smem:$0x3FB2]  }
0x2c: {  	s7 =	sld [smem:$0x3FB3]  }
0x2d: {  	s3 =	simm.s32 $0x108;
	s8 =	sld [smem:$0x3FB4]  }
0x2e: {  	s3 =	simm.s32 @!p0 $0x1082;
	s9 =	sld [smem:$0x3FB5]  }
0x2f: {  	lr =	sadd.s32 s0, s3;
	s0 =	sld [smem:$0x3FAC]  }
0x30: {  	s3 =	sld [smem:$0x3FAF]  }
0x31: {  	[smem:$0x3FB8] =	sst s10  }
0x32: {  	s10 =	sld [smem:$0x3FB6];
	_ =	sdelay $0x3  }
0x33: {  	p0 =	seq.s32 s10, $0x1;
	s10 =	sld [smem:$0x3FB8];
	_ =	sdelay $0x3  }
0x34: {  	[smem:$0x3FB8] =	sst s10  }
0x35: {  	s10 =	sld [smem:$0x3FB7];
	_ =	sdelay $0x3  }
0x36: {  	p1 =	seq.s32 s10, $0x1;
	s10 =	sld [smem:$0x3FB8];
	_ =	sdelay $0x3  }
0x37: {  	[smem:$0x3FB8] =	sst s10  }
0x38: {  	s10 =	sld [smem:$0x3FB9]  }
0x39: {  	_ = 	snop;
	(pc) =	sbr.ind lr, $3  }
0x3a: {  	_ = 	snop  }
0x3b: {  	_ = 	snop  }
0x3c: {  	p2 =	seq.s32 s10, $0x1;
	s10 =	sld [smem:$0x3FB8]  }
0x3d: {  	_ =	shalt  }
0x3e: {  	_ =	shalt  }
0x3f: {  	_ =	shalt  }
0x40: {  	_ =	shalt  }
0x41: {  	_ =	shalt  }
0x42: {  	_ =	shalt  }
0x43: {  	_ =	shalt  }
0x44: {  	_ =	shalt  }
0x45: {  	_ =	shalt  }
0x46: {  	_ =	shalt  }
0x47: {  	_ =	shalt  }
0x48: {  	_ =	shalt  }
0x49: {  	_ =	shalt  }
0x4a: {  	_ =	shalt  }
0x4b: {  	_ =	shalt  }
0x4c: {  	_ =	shalt  }
0x4d: {  	_ =	shalt  }
0x4e: {  	_ =	shalt  }
0x4f: {  	_ =	shalt  }
0x50: {  	_ =	shalt  }
0x51: {  	_ =	shalt  }
0x52: {  	_ =	shalt  }
0x53: {  	_ =	shalt  }
0x54: {  	_ =	shalt  }
0x55: {  	_ =	shalt  }
0x56: {  	_ =	shalt  }
0x57: {  	_ =	shalt  }
0x58: {  	_ =	shalt  }
0x59: {  	_ =	shalt  }
0x5a: {  	_ =	shalt  }
0x5b: {  	_ =	shalt  }
0x5c: {  	_ =	shalt  }
0x5d: {  	_ =	shalt  }
0x5e: {  	_ =	shalt  }
0x5f: {  	_ =	shalt  }
0x60: {  	_ =	shalt  }
0x61: {  	_ =	shalt  }
0x62: {  	_ =	shalt  }
0x63: {  	_ =	shalt  }
0x64: {  	_ =	shalt  }
0x65: {  	_ =	shalt  }
0x66: {  	_ =	shalt  }
0x67: {  	_ =	shalt  }
0x68: {  	_ =	shalt  }
0x69: {  	_ =	shalt  }
0x6a: {  	_ =	shalt  }
0x6b: {  	_ =	shalt  }
0x6c: {  	_ =	shalt  }
0x6d: {  	_ =	shalt  }
0x6e: {  	_ =	shalt  }
0x6f: {  	_ =	shalt  }
0x70: {  	_ =	shalt  }
0x71: {  	_ =	shalt  }
0x72: {  	_ =	shalt  }
0x73: {  	_ =	shalt  }
0x74: {  	_ =	shalt  }
0x75: {  	_ =	shalt  }
0x76: {  	_ =	shalt  }
0x77: {  	_ =	shalt  }
0x78: {  	_ =	shalt  }
0x79: {  	_ =	shalt  }
0x7a: {  	_ =	shalt  }
0x7b: {  	_ =	shalt  }
0x7c: {  	_ =	shalt  }
0x7d: {  	_ =	shalt  }
0x7e: {  	_ =	shalt  }
0x7f: {  	_ =	shalt  }
0x80: {  	_ =	shalt  }
0x81: {  	_ =	shalt  }
0x82: {  	_ =	shalt  }
0x83: {  	_ =	shalt  }
0x84: {  	_ =	shalt  }
0x85: {  	_ =	shalt  }
0x86: {  	_ =	shalt  }
0x87: {  	_ =	shalt  }
.Lfunc_end0:
.L_simem_size_0:
called_computation_lowered:
.L_overlay_start_0:
0x88: {  	s2 =	sld [smem:$0x3FD9]  }
0x89: {  	s3 =	sld [smem:$0x3FFE];
	_ =	sdelay $0x1  }
0x8a: {  	s1 =	srdreg.scid  }
0x8b: {  	s0 =	sand.u32 $0x1, s1  }
0x8c: {  	s14 =	sshll.u32 s0, $0xA;
	s2 =	sadd.s32 s3, s2  }
0x8d: {  	s2 =	sadd.s32 s2, s14  }
0x8e: {  	[smem:$0x3FC4] =	sst s2  }
0x8f: {  	_ = 	snop  }
0x90: {  	s2 =	sld [smem:$0x3FD0];
	_ =	sdelay $0x2  }
0x91: {  	s4 =	simm.s32 $0xA;
	s5 =	simm.s32 $0x10;
	s15 =	sld [smem:$0x3FC9]  }
0x92: {  	[smem:s5], [sflag:s4] =	dma.local [hbm:s2], $0x1  }
0x93: {  	_ =	swait.eq [sflag:s4], $0x1  }
0x94: {  	[sflag:s4] =	ssyncset.done $0x0  }
0x95: {  	[sflag:s4] =	ssyncadd.s32 $0xFFFFFFFF  }
0x96: {  	s16 =	sld [smem:$0x10];
	(tm) =	ssettm $0x1  }
0x97: {  	s17 =	sld [smem:$0x3FFB];
	_ =	sdelay $0x3  }
0x98: {  	_ =	strace s17  }
0x99: {  	s4 =	sld [smem:$0x3FFC];
	_ =	sdelay $0x3  }
0x9a: {  	_ =	strace s4  }
0x9b: {  	s4 =	sld [smem:$0x3FFD];
	_ =	sdelay $0x3  }
0x9c: {  	_ =	strace s4  }
0x9d: {  	_ =	strace $0x8FFFFFFF  }
0x9e: {  	s18 =	sld [smem:$0x3FDB];
	_ =	sdelay $0x1  }
0x9f: {  	s19 =	simm.s32 $_scs_section_size  }
0xa0: {  	s6 =	simm.s32 $_size__tile_overlayer_lowered;
	s7 =	simm.s32 $_tile_overlayer_lowered  }
0xa1: {  	s22 =	simm.s32 $0x1BFF;
	s21 =	sshll.u32 s7, $0x1;
	s4 =	sadd.s32 s19, s18  }
0xa2: {  	s8 =	simm.s32 $0x0;
	s20 =	sshll.u32 s6, $0x1;
	s6 =	sadd.s32 s21, s4  }
0xa3: {  	[timem:s8], [sflag:s22] =	dma.local [hbm:s6], s20  }
0xa4: {  	_ =	swait.ge [sflag:s22], s20  }
0xa5: {  	s5 =	ssub.s32 $0x0, s20;
	[sflag:s22] =	ssyncset.done $0x0  }
0xa6: {  	[sflag:s22] =	ssyncadd.s32 s5;
	_ =	sdelay $0x1  }
0xa7: {  	s23 =	simm.s32 $0x1B8B  }
0xa8: {  	_ =	swait.ge [sflag:s23], $0x1  }
0xa9: {  	[sflag:s23] =	ssyncset.done $0x0  }
0xaa: {  	s25 =	simm.s32 $0x1B8E;
	s24 =	sld [smem:$0x3FFE];
	[sflag:s23] =	ssyncadd.s32 $0xFFFFFFFF  }
0xab: {  	s26 =	simm.s32 $execute0_lowered;
	[smem:$0x3FD2] =	sst s25  }
0xac: {  	s6 =	sshll.u32 s26, $0x1;
	_ =	strace $0x80000046;
	[dreg:$0x1] =	wrdreg $0xFFFFFFFF  }
0xad: {  	s28 =	simm.s32 $_size_execute0_lowered;
	s4 =	sadd.s32 s4, s6;
	[dreg:$0x0] =	wrdreg $0x0  }
0xae: {  	s6 =	sshll.u32 s28, $0x1;
	[dreg:$0x2] =	wrdreg s4  }
0xaf: {  	[dreg:$0x3] =	wrdreg s6  }
0xb0: {  	[dreg:$0x4] =	wrdreg $0xC0  }
0xb1: {  	_ =	task [dreg:s8], $0x5FFFF  }
0xb2: {  	[dreg:$0x1] =	wrdreg $0xFFFFFFFF  }
0xb3: {  	[dreg:$0x0] =	wrdreg $0x60  }
0xb4: {  	[dreg:$0x2] =	wrdreg s15  }
0xb5: {  	[dreg:$0x3] =	wrdreg s24  }
0xb6: {  	[dreg:$0x4] =	wrdreg s16  }
0xb7: {  	[dreg:$0x5] =	wrdreg $0x9  }
0xb8: {  	_ =	task.clear_ibuf [dreg:s8], $0x6FFFF;
	_ =	strace $0x90000046  }
0xb9: {  	s29 =	simm.s32 $0x9;
	_ =	strace $0x80000048  }
0xba: {  	_ =	swait.ge [sflag:s29], $0x1  }
0xbb: {  	[sflag:s29] =	ssyncadd.s32 $0xFFFFFFFF  }
0xbc: {  	_ =	strace $0x90000048  }
0xbd: {  	_ =	sfence  }
0xbe: {  	s30 =	sld [smem:$0x0];
	_ =	sdelay $0x2  }
0xbf: {  	s31 =	sshll.u32 s1, $0xD;
	s1 =	sshrl.u32 s1, $0x2  }
0xc0: {  	s3 =	sand.u32 $0x4000, s31;
	s1 =	sadd.s32 s1, s30  }
0xc1: {  	s0 =	sor.u32 s3, s0;
	s1 =	sshll.u32 s1, $0x11  }
0xc2: {  	s0 =	sor.u32 s1, s0  }
0xc3: {  	s0 =	sadd.s32 $0x8F2B, s0  }
0xc4: {  	[sflag:s0] =	ssyncadd.remote.s32 $0x1  }
0xc5: {  	_ =	sfence.sel $0xFFFF  }
0xc6: {  	[dreg:$0x0] =	wrdreg $0xFFFFFFFF;
	(pc) =	sbr.abs _section_cstart, $3  }
0xc7: {  	[dreg:$0x1] =	wrdreg $0xFFFFFFFF  }
0xc8: {  	_ =	task.clear_ibuf [dreg:s8], $0x2FFFF;
	_ =	strace $0x9FFFFFFF  }
0xc9: {  	(tm) =	ssettm $0x7FFFFFFF  }
tec
execute0_lowered:
.L_overlay_start_1:
0x0: {  	(tag) =	ssettag $0x1  }
0x1: {  	s24 =	rddreg [dreg:$0x0]  }
0x2: {  	s0 =	rddreg [dreg:$0x1];
	s2 =	srdreg.scid  }
0x3: {  	s1 =	stileid.u32;
	s4 =	rddreg [dreg:$0x2]  }
0x4: {  	s3 =	simm.s32 $0x0;
	s13 =	simm.s32 $0x3;
	s12 =	simm.s32 $0x80  }
0x5: {  	s14 =	simm.s32 $0x400;
	s16 =	simm.s32 $0x18400;
	s15 =	simm.s32 $0x18800  }
0x6: {  	s2 =	sand.u32 $0x1, s2;
	s5 =	sshll.u32 s1, $0x1;
	s6 =	sshrl.u32 s1, $0x2  }
0x7: {  	[smem:$0x7FF] =	sst s3;
	s5 =	sor.u32 s2, s5;
	s8 =	sshll.u32 s6, $0xA  }
0x8: {  	s6 =	sshll.u32 s6, $0xD;
	s2 =	ssub.s32 $0x2, s2;
	s7 =	sshll.u32 s5, $0x7  }
0x9: {  	_ =	strace $0x80000047;
	s23 =	sshrl.u32 s2, $0x1;
	s7 =	sand.u32 $0x380, s7  }
0xa: {  	s2 =	ssub.s32 s2, s23;
	s8 =	sor.u32 s8, s7;
	s6 =	sor.u32 s6, s7  }
0xb: {  	s31 =	smax.u32 s2, $0x1;
	s22 =	sshrl.u32 s8, $0x3;
	s6 =	sshrl.u32 s6, $0x3  }
0xc: {  	[dreg:$0xa] =	wrdreg s31;
	s7 =	sadd.s32 s22, s0;
	s30 =	sadd.s32 s4, s6  }
0xd: {  	s0 =	sadd.s32 s6, s0;
	s25 =	sadd.s32 $0x1200, s7;
	[dreg:$0x9] =	wrdreg s30  }
.Ltmp0:
0xe: {  	s26 =	sadd.s32 $0x200, s0;
	[dreg:$0x4] =	wrdreg s25;
	(pc) =	sbr.rel .LBB2_1-.Ltmp0, $4  }
0xf: {  	s28 =	sshll.u32 s5, $0x11;
	s0 =	sadd.s32 $0x1400, s0;
	[dreg:$0x5] =	wrdreg s26  }
0x10: {  	s7 =	sshll.u32 s5, $0x14;
	[dreg:$0x6] =	wrdreg s0;
	s0 =	sadd.s32 s24, s28  }
0x11: {  	v0 =	vimm.f32 $1.000000000e+06;
	v1 =	vimm.s32 $0x0;
	v2 =	vimm.s32 $0x1;
	s21 =	simm.s32 $0xC000;
	s29 =	sor.u32 $0x4000, s7;
	[dreg:$0x7] =	wrdreg s0  }
0x12: {  	v3 =	vlaneseq.u32;
	vm0 =	vcmask $0x308;
	vm1 =	vmxor vm1, vm1;
	s1 =	simm.s32 $0x0;
	s22 =	simm.s32 $0x18000;
	[dreg:$0x8] =	wrdreg s29  }
.LBB2_27:
0x13: {  	s0 =	rddreg [dreg:$0x9]  }
0x14: {  	[hbm4b:s0+s12] =	stream.strided.scatter [tilespmem:s15], [sflag:$0x3], $0x400, s14, s12, $0x38;
	[tilespmem:$0x1D080] =	vst v63  }
0x15: {  	_ =	swait.ge [sflag:s13], $0x400  }
0x16: {  	s1 =	rddreg [dreg:$0xb]  }
0x17: {  	s31 =	rddreg [dreg:$0xa];
	s1 =	sadd.s32 $0x1, s1  }
0x18: {  	p0 =	sne.s32 s1, s31  }
.Ltmp1:
0x19: {  	_ = 	snop;
	(pc) =	sbr.rel @!p0 .LBB2_28-.Ltmp1, $3  }
0x1a: {  	_ =	sdelay $0x1  }
0x1b: {  	[sflag:s13] =	ssyncset.done $0x0  }
0x1c: {  	[sflag:s13] =	ssyncadd.s32 $0xFFFFFC00  }
.LBB2_1:
0x1d: {  	[dreg:$0xb] =	wrdreg s1  }
0x1e: {  	s0 =	rddreg [dreg:$0x4];
	s26 =	simm.s32 $0x19000  }
0x1f: {  	[tilespmem:s26], [sflag:$0x3] =	stream.linear.gather [hbm4b:s0+s3], $0x80, $0x38;
	[tilespmem:$0x1D080] =	vst v63  }
0x20: {  	_ =	swait.ge [sflag:s13], $0x80  }
0x21: {  	[sflag:s13] =	ssyncset.done $0x0  }
0x22: {  	s28 =	rddreg [dreg:$0x5];
	[sflag:s13] =	ssyncadd.s32 $0xFFFFFF80  }
0x23: {  	v4 =	vld [tilespmem:$0x19000];
	[tilespmem:s16], [sflag:$0x3] =	stream.strided.gather [hbm4b:s28+s12], $0x400, s14, s12, $0x38  }
0x24: {  	_ =	swait.ge [sflag:s13], $0x400  }
0x25: {  	[sflag:s13] =	ssyncset.done $0x0  }
0x26: {  	s29 =	rddreg [dreg:$0x6];
	[sflag:s13] =	ssyncadd.s32 $0xFFFFFC00  }
0x27: {  	[tilespmem:s15], [sflag:$0x3] =	stream.strided.gather [hbm4b:s29+s12], $0x400, s14, s12, $0x38;
	[tilespmem:$0x1D080] =	vst v63  }
0x28: {  	_ =	swait.ge [sflag:s13], $0x400  }
0x29: {  	s31 =	simm.s32 $0x19080;
	[sflag:s13] =	ssyncset.done $0x0  }
0x2a: {  	s0 =	simm.s32 $0x40;
	s30 =	rddreg [dreg:$0x7];
	[sflag:s13] =	ssyncadd.s32 $0xFFFFFC00  }
0x2b: {  	[tilespmem:s31], [sflag:$0x1] =	stream.linear.gather [hbm4b:s30+s3], $0x2000, $0x38;
	[tilespmem:$0x1D080] =	vst v63  }
0x2c: {  	[tilespmem:s0+$0x30] =	vst v0  }
0x2d: {  	[tilespmem:s0+$0xFFFFFFF0] =	vst v0  }
0x2e: {  	[tilespmem:s0+$0xFFFFFFC0] =	vst v0  }
0x2f: {  	[tilespmem:s0+$0xFFFFFFE0] =	vst v0  }
0x30: {  	[tilespmem:s0+$0x10] =	vst v0  }
0x31: {  	[tilespmem:s0+$0x20] =	vst v0  }
0x32: {  	[tilespmem:s0+$0x0] =	vst v0  }
0x33: {  	s2 =	simm.s32 $0xC040;
	[tilespmem:s0+$0xFFFFFFD0] =	vst v0  }
0x34: {  	[tilespmem:s2+$0xFFFFFFC0] =	vst v1  }
0x35: {  	[tilespmem:s2+$0x30] =	vst v1  }
0x36: {  	[tilespmem:s2+$0x20] =	vst v1  }
0x37: {  	[tilespmem:s2+$0x10] =	vst v1  }
0x38: {  	[tilespmem:s2+$0xFFFFFFE0] =	vst v1  }
0x39: {  	[tilespmem:s2+$0x0] =	vst v1  }
0x3a: {  	s4 =	simm.s32 $0x0;
	[tilespmem:s2+$0xFFFFFFF0] =	vst v1  }
.LBB2_2:
0x3b: {  	s4 =	sadd.s32 $0x8, s4;
	[tilespmem:s2+$0xFFFFFFD0] =	vst v1;
	s0 =	sadd.s32 $0x80, s0;
	s2 =	sadd.s32 $0x80, s2  }
0x3c: {  	[tilespmem:s0+$0x30] =	vst v0;
	p0 =	slt.u32 s4, $0xBF8  }
0x3d: {  	[tilespmem:s0+$0xFFFFFFF0] =	vst v0  }
0x3e: {  	[tilespmem:s0+$0xFFFFFFC0] =	vst v0  }
0x3f: {  	[tilespmem:s2+$0xFFFFFFC0] =	vst v1  }
0x40: {  	[tilespmem:s2+$0x30] =	vst v1  }
0x41: {  	[tilespmem:s0+$0xFFFFFFE0] =	vst v0  }
0x42: {  	[tilespmem:s0+$0x10] =	vst v0  }
0x43: {  	[tilespmem:s0+$0x20] =	vst v0  }
0x44: {  	[tilespmem:s2+$0x20] =	vst v1  }
0x45: {  	[tilespmem:s2+$0x10] =	vst v1  }
.Ltmp2:
0x46: {  	[tilespmem:s2+$0xFFFFFFE0] =	vst v1;
	(pc) =	sbr.rel @p0 .LBB2_2-.Ltmp2, $4  }
0x47: {  	[tilespmem:s0+$0x0] =	vst v0  }
0x48: {  	[tilespmem:s2+$0x0] =	vst v1  }
0x49: {  	[tilespmem:s2+$0xFFFFFFF0] =	vst v1  }
0x4a: {  	s26 =	simm.s32 $0x0;
	[tilespmem:s0+$0xFFFFFFD0] =	vst v0  }
0x4b: {  	[tilespmem:s2+$0xFFFFFFD0] =	vst v1;
	s28 =	simm.s32 $0x0  }
.LBB2_4:
0x4c: {  	s29 =	sshllo.u32 s28, $0x1  }
0x4d: {  	s0 =	sshll.u32 s29, $0xD  }
0x4e: {  	s0 =	sadd.s32 s7, s0  }
0x4f: {  	s0 =	sshrl.u32 s0, $0x3  }
0x50: {  	s1 =	simm.s32 $0x1B080;
	s25 =	simm.s32 $0x1;
	s0 =	sadd.s32 s24, s0  }
0x51: {  	[tilespmem:s1], [sflag:$0x2] =	stream.linear.gather [hbm4b:s0+s26], $0x2000, $0x38;
	[tilespmem:$0x1D080] =	vst v63  }
0x52: {  	_ =	swait.ge [sflag:s25], $0x2000  }
0x53: {  	s23 =	smov.u32 s24;
	s30 =	sshll.u32 s28, $0x4;
	[sflag:s25] =	ssyncset.done $0x0  }
0x54: {  	s31 =	simm.s32 $0x190C0;
	s2 =	simm.s32 $0x0;
	[sflag:s25] =	ssyncadd.s32 $0xFFFFE000  }
.LBB2_5:
0x55: {  	v18 =	vld [tilespmem:s31+$0xFFFFFFD0]  }
0x56: {  	v7 =	vld [tilespmem:s31+$0xFFFFFFC0]  }
0x57: {  	v12 =	vld [tilespmem:s31+$0xFFFFFFE0]  }
0x58: {  	v8 =	vld [tilespmem:s31+$0x20]  }
0x59: {  	v9 =	vld [tilespmem:s31+$0xFFFFFFF0]  }
0x5a: {  	v10 =	vld [tilespmem:s31+$0x0]  }
0x5b: {  	s0 =	sadd.s32 s30, s2;
	v15 =	vld [tilespmem:s31+$0x30];
	vm7 =	vlt.f32 v18, $3.125000000e-02  }
0x5c: {  	v13 =	vld [tilespmem:s31+$0x10];
	s4 =	smul.u32 $0x30, s0;
	vm6 =	vlt.f32 v12, $3.125000000e-02;
	(xrf0) =	vadd.scan.msk.s32 vm7, v2  }
0x5d: {  	vm5 =	vlt.f32 v7, $3.125000000e-02;
	vm2 =	vlt.f32 v8, $3.125000000e-02;
	(xrf0) =	vadd.scan.msk.s32 vm6, v2  }
0x5e: {  	v11 =	vimm.s32 $0x0;
	s5 =	sadd.s32 $0xFFFFFFFF, s4;
	vm3 =	vlt.f32 v9, $3.125000000e-02;
	v6 =	vmpcnt.ones.xlane vm5;
	(xrf0) =	vadd.scan.msk.s32 vm2, v2  }
0x5f: {  	v5 =	vmov s5;
	vm4 =	vlt.f32 v10, $3.125000000e-02;
	v14 =	vmpcnt.ones.xlane vm7;
	(xrf0) =	vadd.scan.msk.s32 vm3, v2  }
0x60: {  	vm8 =	vlt.f32 v15, $3.125000000e-02;
	v17 =	vmpcnt.ones.xlane vm6;
	v16 =	vadd.s32 v11, v6;
	(xrf0) =	vadd.scan.msk.s32 vm5, v2  }
0x61: {  	vm9 =	vlt.f32 v13, $3.125000000e-02;
	v20 =	vmpcnt.ones.xlane vm4;
	v14 =	vadd.s32 v16, v14  }
0x62: {  	v19 =	vadd.s32 v5, v16;
	v16 =	vadd.s32 v14, v17;
	v17 =	vmpcnt.ones.xlane vm3;
	v21, _, _ =	vpop (xrf0)  }
0x63: {  	s4 =	sadd.s32 $0x2F, s4;
	v22 =	vmpcnt.ones.xlane vm9;
	v23 =	vmpcnt.ones.xlane vm2;
	(xrf0) =	vadd.scan.msk.s32 vm4, v2;
	v24, _, _ =	vpop (xrf0);
	v19 =	vadd.s32 v21, v19  }
0x64: {  	v6 =	vmov s4;
	v11 =	vadd.s32 v5, v11;
	v17 =	vadd.s32 v16, v17;
	(xrf0) =	vadd.scan.msk.s32 vm8, v2;
	v21, _, _ =	vpop (xrf0)  }
0x65: {  	v14 =	vadd.s32 v5, v14;
	v16 =	vadd.s32 v5, v16;
	v20 =	vadd.s32 v17, v20;
	(xrf0) =	vadd.scan.msk.s32 vm9, v2;
	v28, _, _ =	vpop (xrf0)  }
0x66: {  	v14 =	vadd.s32 v24, v14;
	v25 =	vadd.s32 v20, v22;
	v22 =	vmin.u32 v19, v6;
	v19, _, _ =	vpop (xrf0)  }
0x67: {  	s24 =	sadd.s32 $0x400, s31;
	v26 =	vadd.s32 v19, v11;
	v11 =	vadd.s32 v28, v16  }
0x68: {  	v17 =	vadd.s32 v5, v17;
	v16 =	vmin.u32 v11, v6;
	v11 =	vld [tilespmem:s24+$0xFFFFFFD0]  }
0x69: {  	s12 =	simm.s32 $0x0;
	s10 =	simm.s32 $0x8;
	v24 =	vadd.s32 v5, v25;
	v25 =	vadd.s32 v25, v23;
	v19 =	vmin.u32 v14, v6;
	v14, _, _ =	vpop (xrf0)  }
0x6a: {  	s25 =	simm.s32 $0x20;
	s6 =	simm.s32 $0x70;
	s8 =	simm.s32 $0x30;
	v27 =	vmpcnt.ones.xlane vm8;
	v14 =	vadd.s32 v14, v17;
	v17 =	vadd.s32 v5, v25;
	v23, _, _ =	vpop (xrf0)  }
0x6b: {  	s11 =	simm.s32 $0x50;
	s20 =	simm.s32 $0x10;
	s18 =	simm.s32 $0x40;
	v20 =	vadd.s32 v5, v20;
	v14 =	vmin.u32 v14, v6;
	v23 =	vadd.s32 v23, v17;
	v28, _, _ =	vpop (xrf0)  }
0x6c: {  	s19 =	simm.s32 $0x0;
	s5 =	smov.u32 s24;
	s4 =	simm.s32 $0x60;
	v17 =	vld [tilespmem:s24+$0x20];
	[tilespmem:v22+s3+$0x0] =	vst.idx.msk vm7, v18;
	v18 =	vor.u32 s20, v3;
	v20 =	vadd.s32 v28, v20;
	v23 =	vmin.u32 v23, v6  }
.LBB2_6:
0x6d: {  	s10 =	sadd.s32 $0x8, s10;
	v28 =	vld [tilespmem:s24+$0xFFFFFFC0];
	s5 =	sadd.s32 $0x400, s5;
	[tilespmem:v22+s21+$0x0] =	vst.idx.msk vm7, v18;
	v21 =	vadd.s32 v21, v24;
	v27 =	vadd.s32 v25, v27;
	s12 =	sadd.s32 $0x80, s12;
	v18 =	vmov v11  }
0x6e: {  	v22 =	vmin.u32 v26, v6;
	vm11 =	vmmov vm5;
	v11 =	vld [tilespmem:s5+$0xFFFFFFD0];
	p0 =	slt.u32 s10, $0x38;
	s15 =	sadd.s32 $0x20, s12;
	s9 =	sadd.s32 $0x70, s12;
	v24 =	vmin.u32 v21, v6  }
0x6f: {  	vm12 =	vmmov vm2;
	vm13 =	vmmov vm3;
	s17 =	sadd.s32 $0x30, s12;
	s1 =	sadd.s32 $0x50, s12;
	s20 =	sadd.s32 $0x60, s12;
	v21 =	vor.u32 s25, v3;
	[tilespmem:v19+s3+$0x0] =	vst.idx.msk vm6, v12;
	v12 =	vld [tilespmem:s24+$0xFFFFFFE0]  }
0x70: {  	vm10 =	vmmov vm4;
	vm14 =	vmmov vm9;
	s14 =	sadd.s32 $0x40, s12;
	s25 =	smov.u32 s15;
	v25 =	vld [tilespmem:s24+$0xFFFFFFF0];
	[tilespmem:v19+s21+$0x0] =	vst.idx.msk vm6, v21;
	v19 =	vor.u32 s4, v3;
	s4 =	smov.u32 s20  }
0x71: {  	v26 =	vor.u32 s19, v3;
	s19 =	smov.u32 s12;
	v21 =	vor.u32 s11, v3;
	s11 =	smov.u32 s1;
	[tilespmem:v23+s3+$0x0] =	vst.idx.msk vm8, v15;
	v15 =	vor.u32 s6, v3;
	s6 =	smov.u32 s9  }
0x72: {  	v30 =	vor.u32 s8, v3;
	vm7 =	vlt.f32 v18, $3.125000000e-02;
	s8 =	smov.u32 s17;
	vm5 =	vlt.f32 v28, $3.125000000e-02;
	v29 =	vld [tilespmem:s24+$0x0];
	[tilespmem:v23+s21+$0x0] =	vst.idx.msk vm8, v15  }
0x73: {  	v20 =	vmin.u32 v20, v6;
	v23 =	vmpcnt.ones.xlane vm5;
	(xrf0) =	vadd.scan.msk.s32 vm7, v2;
	[tilespmem:v24+s3+$0x0] =	vst.idx.msk vm2, v8;
	v8 =	vmovc v17  }
0x74: {  	v17 =	vmpcnt.ones.xlane vm7;
	vm6 =	vlt.f32 v12, $3.125000000e-02;
	vm2 =	vlt.f32 v8, $3.125000000e-02;
	v15 =	vld [tilespmem:s24+$0x30];
	[tilespmem:v16+s3+$0x0] =	vst.idx.msk vm3, v9  }
0x75: {  	v23 =	vadd.s32 v27, v23;
	v31 =	vmpcnt.ones.xlane vm6;
	v32 =	vld [tilespmem:s24+$0x10];
	(xrf0) =	vadd.scan.msk.s32 vm6, v2;
	[tilespmem:v14+s3+$0x0] =	vst.idx.msk vm4, v10;
	v9 =	vmovc v25;
	s24 =	smov.u32 s5  }
0x76: {  	v25 =	vadd.s32 v5, v23;
	v33 =	vadd.s32 v23, v17;
	vm3 =	vlt.f32 v9, $3.125000000e-02;
	(xrf0) =	vadd.scan.msk.s32 vm2, v2  }
0x77: {  	v17 =	vadd.s32 v5, v33;
	v23 =	vadd.s32 v33, v31;
	vm4 =	vlt.f32 v29, $3.125000000e-02;
	(xrf0) =	vadd.scan.msk.s32 vm3, v2;
	v10 =	vmovc v29  }
0x78: {  	v31 =	vmpcnt.ones.xlane vm3;
	v33 =	vmpcnt.ones.xlane vm2;
	v29 =	vadd.s32 v5, v23;
	[tilespmem:v20+s3+$0x0] =	vst.idx.msk vm14, v13  }
0x79: {  	v13 =	vmpcnt.ones.xlane vm4;
	vm8 =	vlt.f32 v15, $3.125000000e-02;
	(xrf0) =	vadd.scan.msk.s32 vm5, v2;
	v34, _, _ =	vpop (xrf0);
	[tilespmem:v22+s3+$0x0] =	vst.idx.msk vm11, v7  }
0x7a: {  	v23 =	vadd.s32 v23, v31;
	v7 =	vmovc v28;
	vm9 =	vlt.f32 v32, $3.125000000e-02;
	(xrf0) =	vadd.scan.msk.s32 vm4, v2;
	[tilespmem:v16+s21+$0x0] =	vst.idx.msk vm13, v30  }
0x7b: {  	v28 =	vadd.s32 v23, v13;
	v31 =	vmpcnt.ones.xlane vm9;
	v16, _, _ =	vpop (xrf0);
	(xrf0) =	vadd.scan.msk.s32 vm8, v2;
	[tilespmem:v20+s21+$0x0] =	vst.idx.msk vm14, v21  }
0x7c: {  	v20 =	vadd.s32 v34, v25;
	v16 =	vadd.s32 v16, v17;
	(xrf0) =	vadd.scan.msk.s32 vm9, v2;
	v21, _, _ =	vpop (xrf0);
	[tilespmem:v22+s21+$0x0] =	vst.idx.msk vm11, v26  }
0x7d: {  	v26 =	vor.u32 s18, v3;
	v13 =	vmov v32;
	s18 =	smov.u32 s14;
	v17 =	vadd.s32 v28, v31;
	v30, _, _ =	vpop (xrf0);
	[tilespmem:v24+s21+$0x0] =	vst.idx.msk vm12, v19  }
0x7e: {  	v22 =	vmin.u32 v20, v6;
	v24 =	vadd.s32 v5, v17;
	v25 =	vadd.s32 v17, v33  }
.Ltmp3:
0x7f: {  	v23 =	vadd.s32 v5, v23;
	v31 =	vadd.s32 v5, v27;
	v27 =	vmpcnt.ones.xlane vm8;
	v19, _, _ =	vpop (xrf0);
	[tilespmem:v14+s21+$0x0] =	vst.idx.msk vm10, v26;
	(pc) =	sbr.rel @p0 .LBB2_6-.Ltmp3, $4  }
0x80: {  	v14 =	vadd.s32 v30, v29;
	v26 =	vadd.s32 v19, v31;
	v19 =	vmin.u32 v16, v6;
	v17, _, _ =	vpop (xrf0)  }
0x81: {  	v16 =	vmin.u32 v14, v6;
	v14 =	vadd.s32 v17, v23;
	v17 =	vadd.s32 v5, v25;
	v20, _, _ =	vpop (xrf0)  }
0x82: {  	s1 =	sadd.s32 $0x10, s12;
	v23 =	vadd.s32 v5, v28;
	v14 =	vmin.u32 v14, v6;
	v28 =	vadd.s32 v20, v17;
	v20, _, _ =	vpop (xrf0)  }
0x83: {  	v17 =	vld [tilespmem:s5+$0x20];
	[tilespmem:v22+s3+$0x0] =	vst.idx.msk vm7, v18;
	v18 =	vor.u32 s1, v3;
	v20 =	vadd.s32 v20, v23;
	v23 =	vmin.u32 v28, v6  }
0x84: {  	_ =	sdelay $0x3  }
0x85: {  	v28 =	vld [tilespmem:s24+$0xFFFFFFC0]  }
0x86: {  	v21 =	vadd.s32 v21, v24;
	v56 =	vmin.u32 v26, v6;
	v26 =	vld [tilespmem:s24+$0xFFFFFFE0];
	[tilespmem:v22+s21+$0x0] =	vst.idx.msk vm7, v18  }
0x87: {  	v55 =	vadd.s32 v25, v27;
	vm12 =	vmmov vm5;
	v58 =	vor.u32 s25, v3;
	[tilespmem:v19+s3+$0x0] =	vst.idx.msk vm6, v12;
	v12 =	vld [tilespmem:s24+$0xFFFFFFF0]  }
0x88: {  	vm11 =	vmmov vm2;
	vm14 =	vmmov vm3;
	vm10 =	vmmov vm4;
	[tilespmem:v23+s3+$0x0] =	vst.idx.msk vm8, v15;
	v62 =	vld [tilespmem:s24+$0x0]  }
0x89: {  	vm13 =	vmmov vm9;
	v60 =	vor.u32 s11, v3;
	[tilespmem:v16+s3+$0x0] =	vst.idx.msk vm3, v9;
	v57 =	vmin.u32 v21, v6  }
0x8a: {  	v61 =	vor.u32 s6, v3;
	vm9 =	vlt.f32 v11, $3.125000000e-02;
	v20 =	vmin.u32 v20, v6;
	v29 =	vld [tilespmem:s24+$0x10];
	[tilespmem:v14+s3+$0x0] =	vst.idx.msk vm4, v10  }
0x8b: {  	v63 =	vor.u32 s8, v3;
	v33 =	vld [tilespmem:s24+$0x30];
	v47 =	vor.u32 s18, v3;
	[tilespmem:v19+s21+$0x0] =	vst.idx.msk vm6, v58;
	v35 =	vmpcnt.ones.xlane vm9  }
0x8c: {  	(xrf0) =	vadd.scan.msk.s32 vm9, v2;
	v24 =	vadd.s32 v5, v55;
	vm6 =	vlt.f32 v17, $3.125000000e-02;
	vm5 =	vlt.f32 v28, $3.125000000e-02  }
0x8d: {  	[tilespmem:v23+s21+$0x0] =	vst.idx.msk vm8, v61;
	vm8 =	vlt.f32 v26, $3.125000000e-02;
	vm7 =	vlt.f32 v12, $3.125000000e-02;
	vm3 =	vlt.f32 v62, $3.125000000e-02  }
0x8e: {  	v31 =	vmpcnt.ones.xlane vm6;
	v34 =	vmpcnt.ones.xlane vm5;
	(xrf0) =	vadd.scan.msk.s32 vm8, v2;
	[tilespmem:v57+s3+$0x0] =	vst.idx.msk vm2, v8  }
0x8f: {  	vm15 =	vlt.f32 v29, $3.125000000e-02;
	v37 =	vmpcnt.ones.xlane vm8;
	v39 =	vmpcnt.ones.xlane vm7;
	[tilespmem:v20+s3+$0x0] =	vst.idx.msk vm13, v13  }
0x90: {  	vm2 =	vlt.f32 v33, $3.125000000e-02;
	[tilespmem:v56+s3+$0x0] =	vst.idx.msk vm12, v7;
	(xrf0) =	vadd.scan.msk.s32 vm6, v2;
	v36 =	vadd.s32 v55, v34  }
0x91: {  	v40 =	vmpcnt.ones.xlane vm3;
	[tilespmem:v16+s21+$0x0] =	vst.idx.msk vm14, v63;
	(xrf0) =	vadd.scan.msk.s32 vm7, v2;
	v8 =	vadd.s32 v36, v35  }
0x92: {  	v42 =	vmpcnt.ones.xlane vm15;
	v30, _, _ =	vpop (xrf0);
	v38 =	vadd.s32 v5, v36;
	(xrf0) =	vadd.scan.msk.s32 vm5, v2;
	v23 =	vadd.s32 v8, v37  }
0x93: {  	[tilespmem:v14+s21+$0x0] =	vst.idx.msk vm10, v47;
	(xrf0) =	vadd.scan.msk.s32 vm3, v2;
	v10 =	vadd.s32 v30, v38;
	v7 =	vadd.s32 v23, v39  }
0x94: {  	v8 =	vadd.s32 v5, v8;
	(xrf0) =	vadd.scan.msk.s32 vm2, v2;
	v10 =	vmin.u32 v10, v6;
	v41, _, _ =	vpop (xrf0);
	v13 =	vadd.s32 v7, v40  }
0x95: {  	v59 =	vor.u32 s19, v3;
	[tilespmem:v20+s21+$0x0] =	vst.idx.msk vm13, v60;
	v8 =	vadd.s32 v41, v8;
	v16 =	vadd.s32 v13, v42  }
0x96: {  	(xrf0) =	vadd.scan.msk.s32 vm15, v2;
	v43, _, _ =	vpop (xrf0);
	v48 =	vadd.s32 v16, v31;
	v16 =	vadd.s32 v5, v16;
	v8 =	vmin.u32 v8, v6  }
0x97: {  	v45 =	vor.u32 s4, v3;
	s1 =	sadd.s32 $0x80, s12;
	[tilespmem:v56+s21+$0x0] =	vst.idx.msk vm12, v59;
	v23 =	vadd.s32 v5, v23;
	v44, _, _ =	vpop (xrf0);
	v16 =	vadd.s32 v43, v16  }
0x98: {  	s18 =	sadd.s32 $0x10, s1;
	[tilespmem:v57+s21+$0x0] =	vst.idx.msk vm11, v45;
	v46, _, _ =	vpop (xrf0);
	v9 =	vadd.s32 v44, v23;
	v55 =	vmin.u32 v16, v6  }
0x99: {  	v54 =	vor.u32 s18, v3;
	v7 =	vadd.s32 v5, v7;
	v49, _, _ =	vpop (xrf0);
	[tilespmem:v10+s3+$0x0] =	vst.idx.msk vm9, v11;
	v9 =	vmin.u32 v9, v6  }
0x9a: {  	s19 =	sadd.s32 $0x20, s1;
	v50 =	vadd.s32 v5, v48;
	v51, _, _ =	vpop (xrf0);
	[tilespmem:v10+s21+$0x0] =	vst.idx.msk vm9, v54;
	v7 =	vadd.s32 v49, v7  }
0x9b: {  	v57 =	vor.u32 s19, v3;
	v25 =	vadd.s32 v51, v50;
	v7 =	vmin.u32 v7, v6;
	[tilespmem:v8+s3+$0x0] =	vst.idx.msk vm8, v26  }
0x9c: {  	s24 =	sadd.s32 $0x30, s1;
	v5 =	vadd.s32 v5, v13;
	v56, _, _ =	vpop (xrf0);
	v53 =	vmin.u32 v25, v6;
	[tilespmem:v8+s21+$0x0] =	vst.idx.msk vm8, v57  }
0x9d: {  	vm4 =	vmmov vm15;
	v59 =	vor.u32 s24, v3;
	v5 =	vadd.s32 v56, v5;
	[tilespmem:v55+s3+$0x0] =	vst.idx.msk vm6, v17  }
0x9e: {  	vm5 =	vmmov vm5;
	v52 =	vadd.s32 v46, v24;
	v5 =	vmin.u32 v5, v6;
	[tilespmem:v9+s3+$0x0] =	vst.idx.msk vm7, v12  }
0x9f: {  	v6 =	vmin.u32 v52, v6;
	[tilespmem:v9+s21+$0x0] =	vst.idx.msk vm7, v59  }
0xa0: {  	s20 =	sadd.s32 $0x70, s1;
	[tilespmem:v7+s3+$0x0] =	vst.idx.msk vm3, v62  }
0xa1: {  	v58 =	vor.u32 s20, v3;
	vm6 =	vmmov vm6;
	[tilespmem:v53+s3+$0x0] =	vst.idx.msk vm2, v33  }
0xa2: {  	vm3 =	vmmov vm3;
	[tilespmem:v53+s21+$0x0] =	vst.idx.msk vm2, v58  }
0xa3: {  	s2 =	sadd.s32 $0x1, s2;
	s5 =	sadd.s32 $0x50, s1;
	[tilespmem:v5+s3+$0x0] =	vst.idx.msk vm4, v29  }
0xa4: {  	v61 =	vmov s0;
	p0 =	sne.s32 s2, $0x8;
	v60 =	vor.u32 s5, v3;
	[tilespmem:v6+s3+$0x0] =	vst.idx.msk vm5, v28  }
.Ltmp4:
0xa5: {  	s25 =	sadd.s32 $0x60, s1;
	v62 =	vor.u32 s1, v3;
	[tilespmem:v5+s21+$0x0] =	vst.idx.msk vm4, v60;
	(pc) =	sbr.rel @p0 .LBB2_5-.Ltmp4, $4  }
0xa6: {  	v63 =	vor.u32 s25, v3;
	s1 =	sadd.s32 $0x40, s1;
	v5 =	vmpcnt.ones.xlane vm2;
	[tilespmem:v6+s21+$0x0] =	vst.idx.msk vm5, v62  }
0xa7: {  	v6 =	vor.u32 s1, v3;
	[tilespmem:v55+s21+$0x0] =	vst.idx.msk vm6, v63  }
0xa8: {  	v5 =	vadd.s32 v48, v5;
	[tilespmem:v7+s21+$0x0] =	vst.idx.msk vm3, v6  }
0xa9: {  	s31 =	sadd.s32 $0x80, s31;
	vm15 =	vmmov vm7;
	[tilespmem:v61+s22+$0x0] =	vst.idx.msk $0x1, v5  }
0xaa: {  	p0 =	seq.s32 s28, $0x3F  }
0xab: {  	s1 =	rddreg [dreg:$0x8];
	s0 =	sshll.u32 @!p0 s28, $0xE  }
0xac: {  	s0 =	sadd.s32 @!p0 s0, s1  }
0xad: {  	s31 =	simm.s32 $0x2;
	s0 =	sshrl.u32 @!p0 s0, $0x3  }
0xae: {  	s2 =	simm.s32 @!p0 $0x19080;
	s1 =	simm.s32 @!p0 $0x0;
	s0 =	sadd.s32 @!p0 s23, s0  }
0xaf: {  	[tilespmem:s2], [sflag:$0x1] =	stream.linear.gather @!p0 [hbm4b:s0+s1], $0x2000, $0x38;
	[tilespmem:$0x1D080] =	vst v63  }
0xb0: {  	_ =	swait.ge [sflag:s31], $0x2000  }
0xb1: {  	s24 =	smov.u32 s23;
	s29 =	sshll.u32 s29, $0x3;
	[sflag:s31] =	ssyncset.done $0x0  }
0xb2: {  	s30 =	simm.s32 $0x0;
	s2 =	simm.s32 $0x1B0F0;
	[sflag:s31] =	ssyncadd.s32 $0xFFFFE000  }
.LBB2_9:
0xb3: {  	v18 =	vld [tilespmem:s2+$0xFFFFFFA0]  }
0xb4: {  	v7 =	vld [tilespmem:s2+$0xFFFFFF90]  }
0xb5: {  	v12 =	vld [tilespmem:s2+$0xFFFFFFB0]  }
0xb6: {  	v8 =	vld [tilespmem:s2+$0xFFFFFFF0]  }
0xb7: {  	v9 =	vld [tilespmem:s2+$0xFFFFFFC0]  }
0xb8: {  	v10 =	vld [tilespmem:s2+$0xFFFFFFD0]  }
0xb9: {  	s0 =	sadd.s32 s29, s30;
	v15 =	vld [tilespmem:s2+$0x0];
	vm7 =	vlt.f32 v18, $3.125000000e-02  }
0xba: {  	v13 =	vld [tilespmem:s2+$0xFFFFFFE0];
	s1 =	smul.u32 $0x30, s0;
	vm6 =	vlt.f32 v12, $3.125000000e-02;
	(xrf0) =	vadd.scan.msk.s32 vm7, v2  }
0xbb: {  	vm5 =	vlt.f32 v7, $3.125000000e-02;
	vm2 =	vlt.f32 v8, $3.125000000e-02;
	(xrf0) =	vadd.scan.msk.s32 vm6, v2  }
0xbc: {  	v11 =	vimm.s32 $0x0;
	s4 =	sadd.s32 $0xFFFFFFFF, s1;
	vm3 =	vlt.f32 v9, $3.125000000e-02;
	v6 =	vmpcnt.ones.xlane vm5;
	(xrf0) =	vadd.scan.msk.s32 vm2, v2  }
0xbd: {  	v5 =	vmov s4;
	vm4 =	vlt.f32 v10, $3.125000000e-02;
	v14 =	vmpcnt.ones.xlane vm7;
	(xrf0) =	vadd.scan.msk.s32 vm3, v2  }
0xbe: {  	vm8 =	vlt.f32 v15, $3.125000000e-02;
	v17 =	vmpcnt.ones.xlane vm6;
	v16 =	vadd.s32 v11, v6;
	(xrf0) =	vadd.scan.msk.s32 vm5, v2  }
0xbf: {  	vm9 =	vlt.f32 v13, $3.125000000e-02;
	v20 =	vmpcnt.ones.xlane vm4;
	v14 =	vadd.s32 v16, v14  }
0xc0: {  	v19 =	vadd.s32 v5, v16;
	v16 =	vadd.s32 v14, v17;
	v17 =	vmpcnt.ones.xlane vm3;
	v21, _, _ =	vpop (xrf0)  }
0xc1: {  	s1 =	sadd.s32 $0x2F, s1;
	v22 =	vmpcnt.ones.xlane vm9;
	v23 =	vmpcnt.ones.xlane vm2;
	(xrf0) =	vadd.scan.msk.s32 vm4, v2;
	v24, _, _ =	vpop (xrf0);
	v19 =	vadd.s32 v21, v19  }
0xc2: {  	v6 =	vmov s1;
	v11 =	vadd.s32 v5, v11;
	v17 =	vadd.s32 v16, v17;
	(xrf0) =	vadd.scan.msk.s32 vm8, v2;
	v21, _, _ =	vpop (xrf0)  }
0xc3: {  	v14 =	vadd.s32 v5, v14;
	v16 =	vadd.s32 v5, v16;
	v20 =	vadd.s32 v17, v20;
	(xrf0) =	vadd.scan.msk.s32 vm9, v2;
	v28, _, _ =	vpop (xrf0)  }
0xc4: {  	v14 =	vadd.s32 v24, v14;
	v25 =	vadd.s32 v20, v22;
	v22 =	vmin.u32 v19, v6;
	v19, _, _ =	vpop (xrf0)  }
0xc5: {  	s4 =	sadd.s32 $0x400, s2;
	v26 =	vadd.s32 v19, v11;
	v11 =	vadd.s32 v28, v16  }
0xc6: {  	v17 =	vadd.s32 v5, v17;
	v16 =	vmin.u32 v11, v6;
	v11 =	vld [tilespmem:s4+$0xFFFFFFA0]  }
0xc7: {  	s8 =	simm.s32 $0x8;
	s11 =	simm.s32 $0x20;
	v24 =	vadd.s32 v5, v25;
	v25 =	vadd.s32 v25, v23;
	v19 =	vmin.u32 v14, v6;
	v14, _, _ =	vpop (xrf0)  }
0xc8: {  	s6 =	simm.s32 $0x70;
	s5 =	simm.s32 $0x30;
	s10 =	simm.s32 $0x50;
	v27 =	vmpcnt.ones.xlane vm8;
	v14 =	vadd.s32 v14, v17;
	v17 =	vadd.s32 v5, v25;
	v23, _, _ =	vpop (xrf0)  }
0xc9: {  	s18 =	simm.s32 $0x60;
	s25 =	simm.s32 $0x10;
	s31 =	simm.s32 $0x40;
	v20 =	vadd.s32 v5, v20;
	v14 =	vmin.u32 v14, v6;
	v23 =	vadd.s32 v23, v17;
	v28, _, _ =	vpop (xrf0)  }
0xca: {  	s12 =	simm.s32 $0x0;
	s19 =	simm.s32 $0x0;
	v17 =	vld [tilespmem:s4+$0xFFFFFFF0];
	[tilespmem:v22+s3+$0x0] =	vst.idx.msk vm7, v18;
	v18 =	vor.u32 s25, v3;
	s25 =	smov.u32 s4;
	v20 =	vadd.s32 v28, v20;
	v23 =	vmin.u32 v23, v6  }
.LBB2_10:
0xcb: {  	s8 =	sadd.s32 $0x8, s8;
	v28 =	vld [tilespmem:s4+$0xFFFFFF90];
	s25 =	sadd.s32 $0x400, s25;
	[tilespmem:v22+s21+$0x0] =	vst.idx.msk vm7, v18;
	v21 =	vadd.s32 v21, v24;
	v27 =	vadd.s32 v25, v27;
	s12 =	sadd.s32 $0x80, s12;
	v18 =	vmov v11  }
0xcc: {  	v22 =	vmin.u32 v26, v6;
	vm11 =	vmmov vm5;
	v11 =	vld [tilespmem:s25+$0xFFFFFFA0];
	p0 =	slt.u32 s8, $0x38;
	s1 =	sadd.s32 $0x20, s12;
	s9 =	sadd.s32 $0x70, s12;
	v24 =	vmin.u32 v21, v6  }
0xcd: {  	vm12 =	vmmov vm2;
	vm13 =	vmmov vm3;
	s15 =	sadd.s32 $0x30, s12;
	s17 =	sadd.s32 $0x50, s12;
	s20 =	sadd.s32 $0x60, s12;
	v21 =	vor.u32 s11, v3;
	[tilespmem:v19+s3+$0x0] =	vst.idx.msk vm6, v12;
	v12 =	vld [tilespmem:s4+$0xFFFFFFB0]  }
0xce: {  	vm10 =	vmmov vm4;
	vm14 =	vmmov vm9;
	s14 =	sadd.s32 $0x40, s12;
	s11 =	smov.u32 s1;
	v25 =	vld [tilespmem:s4+$0xFFFFFFC0];
	[tilespmem:v19+s21+$0x0] =	vst.idx.msk vm6, v21;
	v19 =	vor.u32 s18, v3;
	s18 =	smov.u32 s20  }
0xcf: {  	v26 =	vor.u32 s19, v3;
	s19 =	smov.u32 s12;
	v21 =	vor.u32 s10, v3;
	s10 =	smov.u32 s17;
	[tilespmem:v23+s3+$0x0] =	vst.idx.msk vm8, v15;
	v15 =	vor.u32 s6, v3;
	s6 =	smov.u32 s9  }
0xd0: {  	v30 =	vor.u32 s5, v3;
	vm7 =	vlt.f32 v18, $3.125000000e-02;
	s5 =	smov.u32 s15;
	vm5 =	vlt.f32 v28, $3.125000000e-02;
	v29 =	vld [tilespmem:s4+$0xFFFFFFD0];
	[tilespmem:v23+s21+$0x0] =	vst.idx.msk vm8, v15  }
0xd1: {  	v20 =	vmin.u32 v20, v6;
	v23 =	vmpcnt.ones.xlane vm5;
	(xrf0) =	vadd.scan.msk.s32 vm7, v2;
	[tilespmem:v24+s3+$0x0] =	vst.idx.msk vm2, v8;
	v8 =	vmovc v17  }
0xd2: {  	v17 =	vmpcnt.ones.xlane vm7;
	vm6 =	vlt.f32 v12, $3.125000000e-02;
	vm2 =	vlt.f32 v8, $3.125000000e-02;
	v15 =	vld [tilespmem:s4+$0x0];
	[tilespmem:v16+s3+$0x0] =	vst.idx.msk vm3, v9  }
0xd3: {  	v23 =	vadd.s32 v27, v23;
	v31 =	vmpcnt.ones.xlane vm6;
	v32 =	vld [tilespmem:s4+$0xFFFFFFE0];
	(xrf0) =	vadd.scan.msk.s32 vm6, v2;
	[tilespmem:v14+s3+$0x0] =	vst.idx.msk vm4, v10;
	v9 =	vmovc v25;
	s4 =	smov.u32 s25  }
0xd4: {  	v25 =	vadd.s32 v5, v23;
	v33 =	vadd.s32 v23, v17;
	vm3 =	vlt.f32 v9, $3.125000000e-02;
	(xrf0) =	vadd.scan.msk.s32 vm2, v2  }
0xd5: {  	v17 =	vadd.s32 v5, v33;
	v23 =	vadd.s32 v33, v31;
	vm4 =	vlt.f32 v29, $3.125000000e-02;
	(xrf0) =	vadd.scan.msk.s32 vm3, v2;
	v10 =	vmovc v29  }
0xd6: {  	v31 =	vmpcnt.ones.xlane vm3;
	v33 =	vmpcnt.ones.xlane vm2;
	v29 =	vadd.s32 v5, v23;
	[tilespmem:v20+s3+$0x0] =	vst.idx.msk vm14, v13  }
0xd7: {  	v13 =	vmpcnt.ones.xlane vm4;
	vm8 =	vlt.f32 v15, $3.125000000e-02;
	(xrf0) =	vadd.scan.msk.s32 vm5, v2;
	v34, _, _ =	vpop (xrf0);
	[tilespmem:v22+s3+$0x0] =	vst.idx.msk vm11, v7  }
0xd8: {  	v23 =	vadd.s32 v23, v31;
	v7 =	vmovc v28;
	vm9 =	vlt.f32 v32, $3.125000000e-02;
	(xrf0) =	vadd.scan.msk.s32 vm4, v2;
	[tilespmem:v16+s21+$0x0] =	vst.idx.msk vm13, v30  }
0xd9: {  	v28 =	vadd.s32 v23, v13;
	v31 =	vmpcnt.ones.xlane vm9;
	v16, _, _ =	vpop (xrf0);
	(xrf0) =	vadd.scan.msk.s32 vm8, v2;
	[tilespmem:v20+s21+$0x0] =	vst.idx.msk vm14, v21  }
0xda: {  	v20 =	vadd.s32 v34, v25;
	v16 =	vadd.s32 v16, v17;
	(xrf0) =	vadd.scan.msk.s32 vm9, v2;
	v21, _, _ =	vpop (xrf0);
	[tilespmem:v22+s21+$0x0] =	vst.idx.msk vm11, v26  }
0xdb: {  	v26 =	vor.u32 s31, v3;
	v13 =	vmov v32;
	s31 =	smov.u32 s14;
	v17 =	vadd.s32 v28, v31;
	v30, _, _ =	vpop (xrf0);
	[tilespmem:v24+s21+$0x0] =	vst.idx.msk vm12, v19  }
0xdc: {  	v22 =	vmin.u32 v20, v6;
	v24 =	vadd.s32 v5, v17;
	v25 =	vadd.s32 v17, v33  }
.Ltmp5:
0xdd: {  	v23 =	vadd.s32 v5, v23;
	v31 =	vadd.s32 v5, v27;
	v27 =	vmpcnt.ones.xlane vm8;
	v19, _, _ =	vpop (xrf0);
	[tilespmem:v14+s21+$0x0] =	vst.idx.msk vm10, v26;
	(pc) =	sbr.rel @p0 .LBB2_10-.Ltmp5, $4  }
0xde: {  	v14 =	vadd.s32 v30, v29;
	v26 =	vadd.s32 v19, v31;
	v19 =	vmin.u32 v16, v6;
	v17, _, _ =	vpop (xrf0)  }
0xdf: {  	v16 =	vmin.u32 v14, v6;
	v14 =	vadd.s32 v17, v23;
	v17 =	vadd.s32 v5, v25;
	v20, _, _ =	vpop (xrf0)  }
0xe0: {  	s1 =	sadd.s32 $0x10, s12;
	v23 =	vadd.s32 v5, v28;
	v14 =	vmin.u32 v14, v6;
	v28 =	vadd.s32 v20, v17;
	v20, _, _ =	vpop (xrf0)  }
0xe1: {  	v17 =	vld [tilespmem:s25+$0xFFFFFFF0];
	[tilespmem:v22+s3+$0x0] =	vst.idx.msk vm7, v18;
	v18 =	vor.u32 s1, v3;
	v20 =	vadd.s32 v20, v23;
	v23 =	vmin.u32 v28, v6  }
0xe2: {  	_ =	sdelay $0x3  }
0xe3: {  	v28 =	vld [tilespmem:s4+$0xFFFFFF90]  }
0xe4: {  	v21 =	vadd.s32 v21, v24;
	v56 =	vmin.u32 v26, v6;
	v26 =	vld [tilespmem:s4+$0xFFFFFFB0];
	[tilespmem:v22+s21+$0x0] =	vst.idx.msk vm7, v18  }
0xe5: {  	v55 =	vadd.s32 v25, v27;
	vm12 =	vmmov vm5;
	v58 =	vor.u32 s11, v3;
	[tilespmem:v19+s3+$0x0] =	vst.idx.msk vm6, v12;
	v12 =	vld [tilespmem:s4+$0xFFFFFFC0]  }
0xe6: {  	vm11 =	vmmov vm2;
	vm14 =	vmmov vm3;
	vm10 =	vmmov vm4;
	[tilespmem:v23+s3+$0x0] =	vst.idx.msk vm8, v15;
	v62 =	vld [tilespmem:s4+$0xFFFFFFD0]  }
0xe7: {  	vm13 =	vmmov vm9;
	v60 =	vor.u32 s10, v3;
	[tilespmem:v16+s3+$0x0] =	vst.idx.msk vm3, v9;
	v57 =	vmin.u32 v21, v6  }
0xe8: {  	v61 =	vor.u32 s6, v3;
	vm9 =	vlt.f32 v11, $3.125000000e-02;
	v20 =	vmin.u32 v20, v6;
	v29 =	vld [tilespmem:s4+$0xFFFFFFE0];
	[tilespmem:v14+s3+$0x0] =	vst.idx.msk vm4, v10  }
0xe9: {  	v63 =	vor.u32 s5, v3;
	v33 =	vld [tilespmem:s4+$0x0];
	v47 =	vor.u32 s31, v3;
	[tilespmem:v19+s21+$0x0] =	vst.idx.msk vm6, v58;
	v35 =	vmpcnt.ones.xlane vm9  }
0xea: {  	(xrf0) =	vadd.scan.msk.s32 vm9, v2;
	v24 =	vadd.s32 v5, v55;
	vm6 =	vlt.f32 v17, $3.125000000e-02;
	vm5 =	vlt.f32 v28, $3.125000000e-02  }
0xeb: {  	[tilespmem:v23+s21+$0x0] =	vst.idx.msk vm8, v61;
	vm8 =	vlt.f32 v26, $3.125000000e-02;
	vm7 =	vlt.f32 v12, $3.125000000e-02;
	vm3 =	vlt.f32 v62, $3.125000000e-02  }
0xec: {  	v31 =	vmpcnt.ones.xlane vm6;
	v34 =	vmpcnt.ones.xlane vm5;
	(xrf0) =	vadd.scan.msk.s32 vm8, v2;
	[tilespmem:v57+s3+$0x0] =	vst.idx.msk vm2, v8  }
0xed: {  	vm15 =	vlt.f32 v29, $3.125000000e-02;
	v37 =	vmpcnt.ones.xlane vm8;
	v39 =	vmpcnt.ones.xlane vm7;
	[tilespmem:v20+s3+$0x0] =	vst.idx.msk vm13, v13  }
0xee: {  	vm2 =	vlt.f32 v33, $3.125000000e-02;
	[tilespmem:v56+s3+$0x0] =	vst.idx.msk vm12, v7;
	(xrf0) =	vadd.scan.msk.s32 vm6, v2;
	v36 =	vadd.s32 v55, v34  }
0xef: {  	v40 =	vmpcnt.ones.xlane vm3;
	[tilespmem:v16+s21+$0x0] =	vst.idx.msk vm14, v63;
	(xrf0) =	vadd.scan.msk.s32 vm7, v2;
	v8 =	vadd.s32 v36, v35  }
0xf0: {  	v42 =	vmpcnt.ones.xlane vm15;
	v30, _, _ =	vpop (xrf0);
	v38 =	vadd.s32 v5, v36;
	(xrf0) =	vadd.scan.msk.s32 vm5, v2;
	v23 =	vadd.s32 v8, v37  }
0xf1: {  	[tilespmem:v14+s21+$0x0] =	vst.idx.msk vm10, v47;
	(xrf0) =	vadd.scan.msk.s32 vm3, v2;
	v10 =	vadd.s32 v30, v38;
	v7 =	vadd.s32 v23, v39  }
0xf2: {  	v8 =	vadd.s32 v5, v8;
	(xrf0) =	vadd.scan.msk.s32 vm2, v2;
	v10 =	vmin.u32 v10, v6;
	v41, _, _ =	vpop (xrf0);
	v13 =	vadd.s32 v7, v40  }
0xf3: {  	v59 =	vor.u32 s19, v3;
	[tilespmem:v20+s21+$0x0] =	vst.idx.msk vm13, v60;
	v8 =	vadd.s32 v41, v8;
	v16 =	vadd.s32 v13, v42  }
0xf4: {  	(xrf0) =	vadd.scan.msk.s32 vm15, v2;
	v43, _, _ =	vpop (xrf0);
	v48 =	vadd.s32 v16, v31;
	v16 =	vadd.s32 v5, v16;
	v8 =	vmin.u32 v8, v6  }
0xf5: {  	v45 =	vor.u32 s18, v3;
	s1 =	sadd.s32 $0x80, s12;
	[tilespmem:v56+s21+$0x0] =	vst.idx.msk vm12, v59;
	v23 =	vadd.s32 v5, v23;
	v44, _, _ =	vpop (xrf0);
	v16 =	vadd.s32 v43, v16  }
0xf6: {  	s18 =	sadd.s32 $0x10, s1;
	[tilespmem:v57+s21+$0x0] =	vst.idx.msk vm11, v45;
	v46, _, _ =	vpop (xrf0);
	v9 =	vadd.s32 v44, v23;
	v55 =	vmin.u32 v16, v6  }
0xf7: {  	v54 =	vor.u32 s18, v3;
	v7 =	vadd.s32 v5, v7;
	v49, _, _ =	vpop (xrf0);
	[tilespmem:v10+s3+$0x0] =	vst.idx.msk vm9, v11;
	v9 =	vmin.u32 v9, v6  }
0xf8: {  	s19 =	sadd.s32 $0x20, s1;
	v50 =	vadd.s32 v5, v48;
	v51, _, _ =	vpop (xrf0);
	[tilespmem:v10+s21+$0x0] =	vst.idx.msk vm9, v54;
	v7 =	vadd.s32 v49, v7  }
0xf9: {  	v57 =	vor.u32 s19, v3;
	v25 =	vadd.s32 v51, v50;
	v7 =	vmin.u32 v7, v6;
	[tilespmem:v8+s3+$0x0] =	vst.idx.msk vm8, v26  }
0xfa: {  	s23 =	sadd.s32 $0x30, s1;
	v5 =	vadd.s32 v5, v13;
	v56, _, _ =	vpop (xrf0);
	v53 =	vmin.u32 v25, v6;
	[tilespmem:v8+s21+$0x0] =	vst.idx.msk vm8, v57  }
0xfb: {  	vm4 =	vmmov vm15;
	v59 =	vor.u32 s23, v3;
	v5 =	vadd.s32 v56, v5;
	[tilespmem:v55+s3+$0x0] =	vst.idx.msk vm6, v17  }
0xfc: {  	vm5 =	vmmov vm5;
	v52 =	vadd.s32 v46, v24;
	v5 =	vmin.u32 v5, v6;
	[tilespmem:v9+s3+$0x0] =	vst.idx.msk vm7, v12  }
0xfd: {  	v6 =	vmin.u32 v52, v6;
	[tilespmem:v9+s21+$0x0] =	vst.idx.msk vm7, v59  }
0xfe: {  	s20 =	sadd.s32 $0x70, s1;
	[tilespmem:v7+s3+$0x0] =	vst.idx.msk vm3, v62  }
0xff: {  	v58 =	vor.u32 s20, v3;
	vm6 =	vmmov vm6;
	[tilespmem:v53+s3+$0x0] =	vst.idx.msk vm2, v33  }
0x100: {  	vm3 =	vmmov vm3;
	[tilespmem:v53+s21+$0x0] =	vst.idx.msk vm2, v58  }
0x101: {  	s30 =	sadd.s32 $0x1, s30;
	s25 =	sadd.s32 $0x50, s1;
	[tilespmem:v5+s3+$0x0] =	vst.idx.msk vm4, v29  }
0x102: {  	v61 =	vmov s0;
	p0 =	sne.s32 s30, $0x8;
	v60 =	vor.u32 s25, v3;
	[tilespmem:v6+s3+$0x0] =	vst.idx.msk vm5, v28  }
.Ltmp6:
0x103: {  	s31 =	sadd.s32 $0x60, s1;
	v62 =	vor.u32 s1, v3;
	[tilespmem:v5+s21+$0x0] =	vst.idx.msk vm4, v60;
	(pc) =	sbr.rel @p0 .LBB2_9-.Ltmp6, $4  }
0x104: {  	v63 =	vor.u32 s31, v3;
	s1 =	sadd.s32 $0x40, s1;
	v5 =	vmpcnt.ones.xlane vm2;
	[tilespmem:v6+s21+$0x0] =	vst.idx.msk vm5, v62  }
0x105: {  	v6 =	vor.u32 s1, v3;
	[tilespmem:v55+s21+$0x0] =	vst.idx.msk vm6, v63  }
0x106: {  	v5 =	vadd.s32 v48, v5;
	[tilespmem:v7+s21+$0x0] =	vst.idx.msk vm3, v6  }
0x107: {  	s2 =	sadd.s32 $0x80, s2;
	vm15 =	vmmov vm7;
	[tilespmem:v61+s22+$0x0] =	vst.idx.msk $0x1, v5  }
0x108: {  	s28 =	sadd.s32 $0x1, s28  }
0x109: {  	p0 =	sne.s32 s28, $0x40  }
.Ltmp7:
0x10a: {  	_ = 	snop;
	(pc) =	sbr.rel @p0 .LBB2_4-.Ltmp7, $1  }
0x10b: {  	_ =	sdelay $0x3  }
.Ltmp8:
0x10c: {  	(pc) =	sbr.rel .LBB2_14-.Ltmp8, $3  }
0x10d: {  	_ =	sdelay $0x1  }
0x10e: {  	s0 =	simm.s32 $0x0;
	s2 =	simm.s32 $0x180;
	s12 =	simm.s32 $0x80  }
0x10f: {  	s14 =	simm.s32 $0x400;
	s15 =	simm.s32 $0x18800;
	s17 =	simm.s32 $0x18C00  }
.LBB2_16:
0x110: {  	s0 =	sadd.s32 $0x40, s0  }
0x111: {  	p0 =	sne.s32 s0, $0x1000  }
.Ltmp9:
0x112: {  	_ = 	snop;
	(pc) =	sbr.rel @!p0 .LBB2_17-.Ltmp9, $2  }
0x113: {  	_ =	sdelay $0x2  }
0x114: {  	s2 =	sadd.s32 $0x300, s2  }
.LBB2_14:
0x115: {  	s1 =	sshra.s32 s0, $0x2  }
0x116: {  	v5 =	vld [tilespmem:s1+$0x18000];
	_ =	sdelay $0x4  }
0x117: {  	vm2 =	vgt.s32 v5, $0x30  }
0x118: {  	v6 =	vmpcnt.ones.xlane vm2;
	_ =	sdelay $0x1  }
0x119: {  	(v2sf) =	vpush v6, $0x0;
	_ =	sdelay $0xe  }
0x11a: {  	s31 =	spop (v2sf)  }
0x11b: {  	p0 =	slt.s32 s31, $0x1  }
.Ltmp10:
0x11c: {  	_ = 	snop;
	(pc) =	sbr.rel @p0 .LBB2_16-.Ltmp10, $1  }
0x11d: {  	_ =	sdelay $0x3  }
0x11e: {  	(v2sf) =	vpush v5, $0x0;
	_ =	sdelay $0x2  }
0x11f: {  	(v2sf) =	vpush v5, $0x1;
	_ =	sdelay $0x2  }
0x120: {  	(v2sf) =	vpush v5, $0x2;
	_ =	sdelay $0x2  }
0x121: {  	(v2sf) =	vpush v5, $0x3;
	_ =	sdelay $0x2  }
0x122: {  	(v2sf) =	vpush v5, $0x4;
	_ =	sdelay $0x2  }
0x123: {  	s1 =	spop (v2sf);
	(v2sf) =	vpush v5, $0x5  }
0x124: {  	p0 =	slt.s32 s1, $0x31  }
0x125: {  	v6 =	vimm.f32 @!p0 $1.000000000e+06  }
0x126: {  	s6 =	spop (v2sf);
	(v2sf) =	vpush v5, $0x6;
	[tilespmem:s2+$0xFFFFFE80] =	vst @!p0 v6  }
0x127: {  	p1 =	slt.s32 s6, $0x31;
	[tilespmem:s2+$0xFFFFFE90] =	vst @!p0 v6  }
0x128: {  	[tilespmem:s2+$0xFFFFFEA0] =	vst @!p0 v6;
	v6 =	vimm.f32 @!p1 $1.000000000e+06  }
0x129: {  	s8 =	spop (v2sf);
	(v2sf) =	vpush v5, $0x7;
	[tilespmem:s2+$0xFFFFFEB0] =	vst @!p1 v6  }
0x12a: {  	p0 =	slt.s32 s8, $0x31;
	[tilespmem:s2+$0xFFFFFEC0] =	vst @!p1 v6  }
0x12b: {  	[tilespmem:s2+$0xFFFFFED0] =	vst @!p1 v6;
	v6 =	vimm.f32 @!p0 $1.000000000e+06  }
0x12c: {  	s9 =	spop (v2sf);
	(v2sf) =	vpush v5, $0x8;
	[tilespmem:s2+$0xFFFFFEE0] =	vst @!p0 v6  }
0x12d: {  	p1 =	slt.s32 s9, $0x31;
	[tilespmem:s2+$0xFFFFFEF0] =	vst @!p0 v6  }
0x12e: {  	[tilespmem:s2+$0xFFFFFF00] =	vst @!p0 v6;
	v6 =	vimm.f32 @!p1 $1.000000000e+06  }
0x12f: {  	s10 =	spop (v2sf);
	(v2sf) =	vpush v5, $0x9;
	[tilespmem:s2+$0xFFFFFF10] =	vst @!p1 v6  }
0x130: {  	p0 =	slt.s32 s10, $0x31;
	[tilespmem:s2+$0xFFFFFF20] =	vst @!p1 v6  }
0x131: {  	[tilespmem:s2+$0xFFFFFF30] =	vst @!p1 v6;
	v6 =	vimm.f32 @!p0 $1.000000000e+06  }
0x132: {  	[tilespmem:s2+$0xFFFFFF40] =	vst @!p0 v6;
	s11 =	spop (v2sf);
	(v2sf) =	vpush v5, $0xA  }
0x133: {  	[tilespmem:s2+$0xFFFFFF50] =	vst @!p0 v6;
	p1 =	slt.s32 s11, $0x31  }
0x134: {  	[tilespmem:s2+$0xFFFFFF60] =	vst @!p0 v6;
	v6 =	vimm.f32 @!p1 $1.000000000e+06  }
0x135: {  	s18 =	spop (v2sf);
	(v2sf) =	vpush v5, $0xB;
	[tilespmem:s2+$0xFFFFFF70] =	vst @!p1 v6  }
0x136: {  	p0 =	slt.s32 s18, $0x31;
	[tilespmem:s2+$0xFFFFFF80] =	vst @!p1 v6  }
0x137: {  	[tilespmem:s2+$0xFFFFFF90] =	vst @!p1 v6;
	v6 =	vimm.f32 @!p0 $1.000000000e+06  }
0x138: {  	s19 =	spop (v2sf);
	(v2sf) =	vpush v5, $0xC;
	[tilespmem:s2+$0xFFFFFFA0] =	vst @!p0 v6  }
0x139: {  	p1 =	slt.s32 s19, $0x31;
	[tilespmem:s2+$0xFFFFFFB0] =	vst @!p0 v6  }
0x13a: {  	[tilespmem:s2+$0xFFFFFFC0] =	vst @!p0 v6;
	v6 =	vimm.f32 @!p1 $1.000000000e+06  }
0x13b: {  	s20 =	spop (v2sf);
	(v2sf) =	vpush v5, $0xD;
	[tilespmem:s2+$0xFFFFFFD0] =	vst @!p1 v6  }
0x13c: {  	p0 =	slt.s32 s20, $0x31;
	[tilespmem:s2+$0xFFFFFFE0] =	vst @!p1 v6  }
0x13d: {  	[tilespmem:s2+$0xFFFFFFF0] =	vst @!p1 v6;
	v6 =	vimm.f32 @!p0 $1.000000000e+06  }
0x13e: {  	s23 =	spop (v2sf);
	(v2sf) =	vpush v5, $0xE;
	[tilespmem:s2+$0x0] =	vst @!p0 v6  }
0x13f: {  	p1 =	slt.s32 s23, $0x31;
	[tilespmem:s2+$0x10] =	vst @!p0 v6  }
0x140: {  	[tilespmem:s2+$0x20] =	vst @!p0 v6;
	v6 =	vimm.f32 @!p1 $1.000000000e+06  }
0x141: {  	[tilespmem:s2+$0x30] =	vst @!p1 v6;
	s25 =	spop (v2sf);
	(v2sf) =	vpush v5, $0xF  }
0x142: {  	[tilespmem:s2+$0x40] =	vst @!p1 v6;
	p0 =	slt.s32 s25, $0x31  }
0x143: {  	[tilespmem:s2+$0x50] =	vst @!p1 v6;
	v5 =	vimm.f32 @!p0 $1.000000000e+06  }
0x144: {  	s26 =	spop (v2sf);
	[tilespmem:s2+$0x60] =	vst @!p0 v5  }
0x145: {  	p1 =	slt.s32 s26, $0x31;
	[tilespmem:s2+$0x70] =	vst @!p0 v5  }
0x146: {  	[tilespmem:s2+$0x80] =	vst @!p0 v5;
	v5 =	vimm.f32 @!p1 $1.000000000e+06  }
0x147: {  	s28 =	spop (v2sf);
	[tilespmem:s2+$0x90] =	vst @!p1 v5  }
0x148: {  	p0 =	slt.s32 s28, $0x31;
	[tilespmem:s2+$0xA0] =	vst @!p1 v5  }
0x149: {  	[tilespmem:s2+$0xB0] =	vst @!p1 v5;
	v5 =	vimm.f32 @!p0 $1.000000000e+06  }
0x14a: {  	s29 =	spop (v2sf);
	[tilespmem:s2+$0xC0] =	vst @!p0 v5  }
0x14b: {  	p1 =	slt.s32 s29, $0x31;
	[tilespmem:s2+$0xD0] =	vst @!p0 v5  }
0x14c: {  	[tilespmem:s2+$0xE0] =	vst @!p0 v5;
	v5 =	vimm.f32 @!p1 $1.000000000e+06  }
0x14d: {  	s30 =	spop (v2sf);
	[tilespmem:s2+$0xF0] =	vst @!p1 v5  }
0x14e: {  	p0 =	slt.s32 s30, $0x31;
	[tilespmem:s2+$0x100] =	vst @!p1 v5  }
0x14f: {  	[tilespmem:s2+$0x110] =	vst @!p1 v5;
	v5 =	vimm.f32 @!p0 $1.000000000e+06  }
0x150: {  	[tilespmem:s2+$0x120] =	vst @!p0 v5;
	s31 =	spop (v2sf)  }
.Ltmp11:
0x151: {  	[tilespmem:s2+$0x130] =	vst @!p0 v5;
	p1 =	slt.s32 s31, $0x31;
	(pc) =	sbr.rel .LBB2_16-.Ltmp11, $4  }
0x152: {  	[tilespmem:s2+$0x140] =	vst @!p0 v5;
	v5 =	vimm.f32 @!p1 $1.000000000e+06  }
0x153: {  	[tilespmem:s2+$0x150] =	vst @!p1 v5  }
0x154: {  	[tilespmem:s2+$0x160] =	vst @!p1 v5  }
0x155: {  	[tilespmem:s2+$0x170] =	vst @!p1 v5  }
.LBB2_17:
0x156: {  	vm2 =	vmmov $0x1  }
0x157: {  	v5 =	vnsel vm2, $0x0, v4  }
0x158: {  	v4 =	vsel vm0, $0x0, v4;
	v5 =	vxor.u32 $0x80000000, v5  }
0x159: {  	v4 =	vxor.u32 $0x80000000, v4;
	(xrf0) =	vmax.scan.msk.u32 $0xffff, v5  }
0x15a: {  	(xrf0) =	vmax.scan.msk.u32 $0xffff, v4;
	_ =	sdelay $0x4  }
0x15b: {  	v4, _, _ =	vpop (xrf0)  }
0x15c: {  	(v2sf) =	vpush v4, $0xF;
	v4, _, _ =	vpop (xrf0)  }
0x15d: {  	(v2sf) =	vpush v4, $0xF;
	_ =	sdelay $0xb  }
.Ltmp12:
0x15e: {  	_ = 	snop;
	(pc) =	sbr.rel .LBB2_18-.Ltmp12, $4  }
0x15f: {  	_ = 	snop  }
0x160: {  	s0 =	spop (v2sf)  }
0x161: {  	s1 =	spop (v2sf)  }
0x162: {  	s28 =	simm.s32 $0x0;
	s0 =	sxor.u32 $0x80000000, s0;
	s26 =	sxor.u32 $0x80000000, s1  }
.LBB2_26:
0x163: {  	s1 =	sor.u32 $0x1, s28  }
0x164: {  	vm3 =	vmmov vm1;
	p0 =	slt.s32 s1, s26  }
0x165: {  	vm3 =	vmneg @p0 vm3  }
0x166: {  	v4 =	vmov s0;
	vm3 =	vmand vm3, vm2  }
0x167: {  	v5 =	vmov s1;
	p0 =	slt.u32 s28, $0x3FE  }
.Ltmp13:
0x168: {  	_ = 	snop;
	(pc) =	sbr.rel @!p0 .LBB2_27-.Ltmp13, $3  }
0x169: {  	_ =	sdelay $0x1  }
0x16a: {  	s31 =	sadd.s32 $0x2, s28;
	[tilespmem:v4+s16+$0x0] =	vst.idx.msk $0x1, v0  }
0x16b: {  	s28 =	smov.u32 s31;
	[tilespmem:v5+s15+$0x0] =	vst.idx.msk vm3, v4  }
.LBB2_18:
0x16c: {  	s1 =	smul.u32 $0x30, s0;
	_ =	sdelay $0x1  }
0x16d: {  	v4 =	vld [tilespmem:s1+$0xC000];
	_ =	sdelay $0x1  }
0x16e: {  	v5 =	vld [tilespmem:s1+$0xC010];
	_ =	sdelay $0x1  }
0x16f: {  	v6 =	vld [tilespmem:s1+$0xC020];
	_ =	sdelay $0x2  }
0x170: {  	v7 =	vld [tilespmem:s1+$0x0]  }
0x171: {  	v8 =	vld.idx.msk [tilespmem:v4+s16+$0x0], $0xffff  }
0x172: {  	v9 =	vld [tilespmem:s1+$0x10]  }
0x173: {  	v10 =	vld.idx.msk [tilespmem:v5+s16+$0x0], $0xffff  }
0x174: {  	v11 =	vld [tilespmem:s1+$0x20]  }
0x175: {  	v12 =	vld.idx.msk [tilespmem:v6+s16+$0x0], $0xffff  }
0x176: {  	v7 =	vadd.f32 v8, v7;
	_ =	sdelay $0x1  }
0x177: {  	v61 =	vadd.f32 v10, v9;
	vm3 =	vlt.f32 v7, $1.000000000e+06  }
0x178: {  	v7 =	vnsel vm3, $0x49742400, v7  }
0x179: {  	v62 =	vadd.f32 v12, v11;
	vm4 =	vlt.f32 v61, v7  }
0x17a: {  	v7 =	vsel vm4, v61, v7  }
0x17b: {  	vm5 =	vlt.f32 v62, v7  }
0x17c: {  	v7 =	vsel vm5, v62, v7  }
0x17d: {  	(xrf0) =	vmin.scan.msk.f32 $0xffff, v7;
	_ =	sdelay $0x5  }
0x17e: {  	v4 =	vnsel vm3, $0x40000000, v4;
	v63, _, _ =	vpop (xrf0)  }
0x17f: {  	v4 =	vsel vm4, v5, v4;
	v5 =	vbroadcast v63, $0xF  }
0x180: {  	v4 =	vsel vm5, v6, v4  }
0x181: {  	v4 =	vxor.u32 $0x80000000, v4;
	vm3 =	veq.f32 v7, v5  }
0x182: {  	v4 =	vnsel vm3, $0xC0000000, v4  }
0x183: {  	(xrf0) =	vmin.scan.msk.u32 $0xffff, v4;
	_ =	sdelay $0x5  }
0x184: {  	v4, _, _ =	vpop (xrf0)  }
0x185: {  	(v2sf) =	vpush v4, $0xF;
	_ =	sdelay $0xe  }
0x186: {  	s31 =	spop (v2sf)  }
0x187: {  	s2 =	sxor.u32 $0x80000000, s31  }
0x188: {  	p0 =	slt.s32 s2, $0x40000000  }
.Ltmp14:
0x189: {  	_ = 	snop;
	(pc) =	sbr.rel @p0 .LBB2_22-.Ltmp14, $1  }
0x18a: {  	_ =	sdelay $0x3  }
0x18b: {  	s1 =	sshll.u32 s0, $0xA  }
0x18c: {  	s29 =	sshll.u32 s0, $0x7;
	s1 =	sand.u32 $0xFFFFE000, s1  }
0x18d: {  	s0 =	sand.u32 $0x380, s29;
	s1 =	sadd.s32 s7, s1  }
0x18e: {  	s0 =	sor.u32 s0, s1  }
0x18f: {  	s0 =	sshrl.u32 s0, $0x3  }
0x190: {  	s0 =	sadd.s32 s24, s0  }
0x191: {  	[tilespmem:s17], [sflag:$0x3] =	stream.strided.gather [hbm4b:s0+s12], $0x400, s14, s12, $0x38;
	[tilespmem:$0x1D080] =	vst v63  }
0x192: {  	_ =	swait.ge [sflag:s13], $0x400  }
0x193: {  	[sflag:s13] =	ssyncset.done $0x0  }
0x194: {  	s30 =	simm.s32 $0x18440;
	[sflag:s13] =	ssyncadd.s32 $0xFFFFFC00  }
0x195: {  	v5 =	vld [tilespmem:s30+$0x30]  }
0x196: {  	v4 =	vld [tilespmem:s30+$0x20]  }
0x197: {  	v8 =	vld [tilespmem:s30+$0x10]  }
0x198: {  	v9 =	vld [tilespmem:s30+$0x0]  }
0x199: {  	v10 =	vld [tilespmem:s30+$0xFFFFFFF0]  }
0x19a: {  	v11 =	vld [tilespmem:s30+$0xFFFFFFE0]  }
0x19b: {  	s2 =	simm.s32 $0x50;
	v12 =	vld [tilespmem:s30+$0xFFFFFFC0]  }
0x19c: {  	v13 =	vimm.f32 $3.000000000e+06;
	v14 =	vimm.s32 $0x0;
	s4 =	simm.s32 $0x30;
	s5 =	simm.s32 $0x40;
	s0 =	simm.s32 $0x18C40;
	v16 =	vld [tilespmem:s30+$0xFFFFFFD0]  }
0x19d: {  	s6 =	simm.s32 $0x0;
	s8 =	simm.s32 $0x10;
	s31 =	simm.s32 $0x20;
	v17 =	vor.u32 s4, v3;
	v7 =	vor.u32 s5, v3;
	v6 =	vor.u32 s2, v3;
	v15 =	vld [tilespmem:s0+$0xFFFFFFC0]  }
0x19e: {  	v18 =	vor.u32 s6, v3;
	v19 =	vor.u32 s8, v3;
	v20 =	vor.u32 s31, v3  }
0x19f: {  	v21 =	vld [tilespmem:s0+$0xFFFFFFD0];
	vm5 =	vlt.f32 v8, $0.0e+00;
	vm4 =	vlt.f32 v4, $0.0e+00;
	vm3 =	vlt.f32 v5, $0.0e+00  }
0x1a0: {  	vm6 =	vlt.f32 v12, $0.0e+00;
	vm7 =	vgt.f32 v12, $0.0e+00;
	vm8 =	vlt.f32 v9, $0.0e+00  }
0x1a1: {  	v12 =	vld [tilespmem:s0+$0xFFFFFFE0];
	vm9 =	vlt.f32 v10, $0.0e+00;
	vm10 =	vgt.f32 v16, $0.0e+00;
	vm6 =	vmor vm7, vm6  }
0x1a2: {  	vm13 =	vgt.f32 v11, $0.0e+00;
	v15 =	vsel vm6, $0x49742400, v15;
	vm6 =	vlt.f32 v16, $0.0e+00  }
0x1a3: {  	vm7 =	vlt.f32 v11, $0.0e+00;
	v11 =	vld [tilespmem:s0+$0xFFFFFFF0];
	vm11 =	vlt.f32 v15, v13;
	vm6 =	vmor vm10, vm6  }
0x1a4: {  	vm14 =	vgt.f32 v10, $0.0e+00;
	v13 =	vsel vm11, v15, v13;
	v15 =	vsel vm6, $0x49742400, v21  }
0x1a5: {  	v63 =	vld [tilespmem:s0+$0x0];
	vm15 =	vgt.f32 v9, $0.0e+00;
	vm7 =	vmor vm13, vm7;
	vm6 =	vlt.f32 v15, v13  }
0x1a6: {  	v14 =	vsel vm11, v18, v14;
	v12 =	vsel vm7, $0x49742400, v12;
	v10 =	vsel vm6, v15, v13  }
0x1a7: {  	v9 =	vld [tilespmem:s0+$0x10];
	vm7 =	vmor vm14, vm9;
	v13 =	vsel vm6, v19, v14;
	vm6 =	vlt.f32 v12, v10  }
0x1a8: {  	vm8 =	vmor vm15, vm8;
	v11 =	vsel vm7, $0x49742400, v11;
	v12 =	vsel vm6, v12, v10  }
0x1a9: {  	s2 =	simm.s32 $0x70;
	v13 =	vsel vm6, v20, v13;
	vm6 =	vgt.f32 v8, $0.0e+00;
	v10 =	vld [tilespmem:s0+$0x20];
	vm7 =	vlt.f32 v11, v12  }
0x1aa: {  	s4 =	simm.s32 $0x0;
	s6 =	simm.s32 $0x184C0;
	s5 =	simm.s32 $0x70;
	v8 =	vld [tilespmem:s0+$0x30];
	v12 =	vsel vm7, v11, v12;
	v11 =	vsel vm7, v17, v13;
	v13 =	vsel vm8, $0x49742400, v63  }
.LBB2_20:
0x1ab: {  	v14 =	vld [tilespmem:s6+$0x30];
	vm7 =	vlt.f32 v13, v12;
	vm5 =	vmor vm6, vm5;
	vm6 =	vgt.f32 v4, $0.0e+00  }
0x1ac: {  	v4 =	vld [tilespmem:s6+$0x20];
	v12 =	vsel vm7, v13, v12;
	v7 =	vsel vm7, v7, v11;
	v9 =	vsel vm5, $0x49742400, v9  }
0x1ad: {  	vm4 =	vmor vm6, vm4;
	vm6 =	vgt.f32 v5, $0.0e+00;
	v11 =	vld [tilespmem:s6+$0x10];
	vm5 =	vlt.f32 v9, v12  }
0x1ae: {  	s1 =	sadd.s32 $0xFFFFFFF0, s2;
	v13 =	vld [tilespmem:s6+$0x0];
	v15 =	vsel vm5, v9, v12;
	v6 =	vsel vm5, v6, v7;
	v7 =	vsel vm4, $0x49742400, v10  }
0x1af: {  	vm3 =	vmor vm6, vm3;
	v10 =	vor.u32 s1, v3;
	v9 =	vld [tilespmem:s6+$0xFFFFFFF0];
	vm4 =	vlt.f32 v7, v15  }
0x1b0: {  	s2 =	sadd.s32 $0x80, s2;
	v8 =	vsel vm3, $0x49742400, v8;
	v12 =	vld [tilespmem:s6+$0xFFFFFFE0];
	v7 =	vsel vm4, v7, v15;
	v6 =	vsel vm4, v10, v6;
	v5 =	vmovc v14  }
0x1b1: {  	s4 =	sadd.s32 $0x8, s4;
	s0 =	sadd.s32 $0x80, s0;
	s1 =	sadd.s32 $0xFFFFFFE0, s2;
	v14 =	vor.u32 s5, v3;
	v10 =	vld [tilespmem:s6+$0xFFFFFFC0];
	vm3 =	vlt.f32 v8, v7  }
0x1b2: {  	s8 =	sadd.s32 $0xFFFFFFD0, s2;
	p0 =	slt.u32 s4, $0x38;
	s5 =	sadd.s32 $0xFFFFFFC0, s2;
	v15 =	vld [tilespmem:s0+$0xFFFFFFC0];
	v8 =	vsel vm3, v8, v7;
	v14 =	vsel vm3, v14, v6  }
0x1b3: {  	s9 =	sadd.s32 $0xFFFFFF90, s2;
	s10 =	sadd.s32 $0xFFFFFFA0, s2;
	s11 =	sadd.s32 $0xFFFFFFB0, s2;
	v17 =	vor.u32 s5, v3;
	v7 =	vor.u32 s8, v3;
	v6 =	vor.u32 s1, v3;
	v16 =	vld [tilespmem:s6+$0xFFFFFFD0]  }
0x1b4: {  	v18 =	vor.u32 s9, v3;
	v19 =	vor.u32 s10, v3;
	v20 =	vor.u32 s11, v3;
	s5 =	smov.u32 s2  }
0x1b5: {  	vm4 =	vlt.f32 v4, $0.0e+00;
	vm5 =	vlt.f32 v11, $0.0e+00;
	vm3 =	vlt.f32 v5, $0.0e+00;
	v21 =	vld [tilespmem:s0+$0xFFFFFFD0]  }
0x1b6: {  	vm6 =	vlt.f32 v13, $0.0e+00;
	vm7 =	vlt.f32 v10, $0.0e+00;
	vm8 =	vgt.f32 v10, $0.0e+00  }
0x1b7: {  	vm9 =	vlt.f32 v9, $0.0e+00;
	vm7 =	vmor vm8, vm7;
	v10 =	vld [tilespmem:s0+$0xFFFFFFE0];
	vm8 =	vlt.f32 v12, $0.0e+00  }
0x1b8: {  	v15 =	vsel vm7, $0x49742400, v15;
	vm7 =	vlt.f32 v16, $0.0e+00;
	vm10 =	vgt.f32 v16, $0.0e+00  }
0x1b9: {  	vm11 =	vlt.f32 v15, v8;
	vm7 =	vmor vm10, vm7;
	vm10 =	vgt.f32 v12, $0.0e+00;
	v12 =	vld [tilespmem:s0+$0xFFFFFFF0]  }
0x1ba: {  	v8 =	vsel vm11, v15, v8;
	v14 =	vsel vm11, v18, v14;
	v15 =	vsel vm7, $0x49742400, v21  }
0x1bb: {  	vm8 =	vmor vm10, vm8;
	vm10 =	vgt.f32 v9, $0.0e+00;
	vm7 =	vlt.f32 v15, v8;
	v16 =	vld [tilespmem:s0+$0x0]  }
.Ltmp15:
0x1bc: {  	v8 =	vsel vm7, v15, v8;
	v14 =	vsel vm7, v19, v14;
	v10 =	vsel vm8, $0x49742400, v10;
	(pc) =	sbr.rel @p0 .LBB2_20-.Ltmp15, $4  }
0x1bd: {  	vm8 =	vmor vm10, vm9;
	vm9 =	vgt.f32 v13, $0.0e+00;
	vm7 =	vlt.f32 v10, v8;
	v9 =	vld [tilespmem:s0+$0x10]  }
0x1be: {  	v8 =	vsel vm7, v10, v8;
	v13 =	vsel vm7, v20, v14;
	v12 =	vsel vm8, $0x49742400, v12  }
0x1bf: {  	vm8 =	vmor vm9, vm6;
	vm6 =	vgt.f32 v11, $0.0e+00;
	vm7 =	vlt.f32 v12, v8;
	v10 =	vld [tilespmem:s0+$0x20]  }
0x1c0: {  	s6 =	sadd.s32 $0x80, s6;
	v12 =	vsel vm7, v12, v8;
	v11 =	vsel vm7, v17, v13;
	v13 =	vsel vm8, $0x49742400, v16;
	v8 =	vld [tilespmem:s0+$0x30]  }
0x1c1: {  	vm7 =	vlt.f32 v13, v12;
	vm5 =	vmor vm6, vm5  }
0x1c2: {  	vm14 =	vgt.f32 v4, $0.0e+00;
	v4 =	vsel vm7, v13, v12;
	v9 =	vsel vm5, $0x49742400, v9  }
0x1c3: {  	vm4 =	vmor vm14, vm4;
	vm5 =	vlt.f32 v9, v4  }
0x1c4: {  	vm15 =	vgt.f32 v5, $0.0e+00;
	v4 =	vsel vm5, v9, v4;
	v5 =	vsel vm4, $0x49742400, v10  }
0x1c5: {  	vm3 =	vmor vm15, vm3;
	vm4 =	vlt.f32 v5, v4  }
0x1c6: {  	v4 =	vsel vm4, v5, v4;
	v5 =	vsel vm3, $0x49742400, v8  }
0x1c7: {  	vm3 =	vlt.f32 v5, v4  }
0x1c8: {  	v4 =	vsel vm3, v5, v4  }
0x1c9: {  	(xrf0) =	vmin.scan.msk.f32 $0xffff, v4;
	_ =	sdelay $0x4  }
0x1ca: {  	s0 =	sadd.s32 $0xFFFFFFF0, s2;
	v5 =	vsel vm7, v7, v11  }
0x1cb: {  	v61 =	vor.u32 s0, v3;
	v5 =	vsel vm5, v6, v5;
	v62, _, _ =	vpop (xrf0)  }
0x1cc: {  	v63 =	vor.u32 s5, v3;
	v5 =	vsel vm4, v61, v5;
	v7 =	vbroadcast v62, $0xF  }
0x1cd: {  	v5 =	vsel vm3, v63, v5  }
0x1ce: {  	vm3 =	veq.f32 v4, v7;
	v4 =	vxor.u32 $0x80000000, v5  }
0x1cf: {  	v4 =	vnsel vm3, $0xC0000000, v4  }
0x1d0: {  	(xrf0) =	vmin.scan.msk.u32 $0xffff, v4;
	_ =	sdelay $0x5  }
0x1d1: {  	v4, _, _ =	vpop (xrf0)  }
0x1d2: {  	(v2sf) =	vpush v4, $0xF;
	_ =	sdelay $0xe  }
0x1d3: {  	s31 =	spop (v2sf)  }
0x1d4: {  	s2 =	sxor.u32 $0x80000000, s31  }
.LBB2_22:
0x1d5: {  	p0 =	slt.s32 s28, s26;
	vm3 =	vmmov vm1;
	v4 =	vmov s28  }
0x1d6: {  	vm3 =	vmneg @p0 vm3;
	v4 =	vand.u32 $0xFFFFFFFE, v4  }
0x1d7: {  	v5 =	vmov s2;
	vm3 =	vmand vm3, vm2;
	v4 =	vbroadcast v4, $0x0;
	_ =	sdelay $0x4  }
0x1d8: {  	s0 =	smul.u32 $0x30, s2;
	[tilespmem:v5+s16+$0x0] =	vst.idx.msk $0x1, v0  }
0x1d9: {  	[tilespmem:v4+s15+$0x0] =	vst.idx.msk vm3, v5  }
0x1da: {  	v4 =	vld [tilespmem:s0+$0xC000];
	_ =	sdelay $0x1  }
0x1db: {  	v5 =	vld [tilespmem:s0+$0xC010];
	_ =	sdelay $0x1  }
0x1dc: {  	v6 =	vld [tilespmem:s0+$0xC020];
	_ =	sdelay $0x2  }
0x1dd: {  	v7 =	vld [tilespmem:s0+$0x0]  }
0x1de: {  	v8 =	vld.idx.msk [tilespmem:v4+s16+$0x0], $0xffff  }
0x1df: {  	v9 =	vld [tilespmem:s0+$0x10]  }
0x1e0: {  	v10 =	vld.idx.msk [tilespmem:v5+s16+$0x0], $0xffff  }
0x1e1: {  	v11 =	vld [tilespmem:s0+$0x20]  }
0x1e2: {  	v12 =	vld.idx.msk [tilespmem:v6+s16+$0x0], $0xffff  }
0x1e3: {  	v7 =	vadd.f32 v8, v7;
	_ =	sdelay $0x1  }
0x1e4: {  	v61 =	vadd.f32 v10, v9;
	vm3 =	vlt.f32 v7, $1.000000000e+06  }
0x1e5: {  	v7 =	vnsel vm3, $0x49742400, v7  }
0x1e6: {  	v62 =	vadd.f32 v12, v11;
	vm4 =	vlt.f32 v61, v7  }
0x1e7: {  	v7 =	vsel vm4, v61, v7  }
0x1e8: {  	vm5 =	vlt.f32 v62, v7  }
0x1e9: {  	v7 =	vsel vm5, v62, v7  }
0x1ea: {  	(xrf0) =	vmin.scan.msk.f32 $0xffff, v7;
	_ =	sdelay $0x5  }
0x1eb: {  	v4 =	vnsel vm3, $0x40000000, v4;
	v63, _, _ =	vpop (xrf0)  }
0x1ec: {  	v4 =	vsel vm4, v5, v4;
	v5 =	vbroadcast v63, $0xF  }
0x1ed: {  	v4 =	vsel vm5, v6, v4  }
0x1ee: {  	v4 =	vxor.u32 $0x80000000, v4;
	vm3 =	veq.f32 v7, v5  }
0x1ef: {  	v4 =	vnsel vm3, $0xC0000000, v4  }
0x1f0: {  	(xrf0) =	vmin.scan.msk.u32 $0xffff, v4;
	_ =	sdelay $0x5  }
0x1f1: {  	v4, _, _ =	vpop (xrf0)  }
0x1f2: {  	(v2sf) =	vpush v4, $0xF;
	_ =	sdelay $0xe  }
0x1f3: {  	s31 =	spop (v2sf)  }
0x1f4: {  	s0 =	sxor.u32 $0x80000000, s31  }
0x1f5: {  	p0 =	slt.s32 s0, $0x40000000  }
.Ltmp16:
0x1f6: {  	_ = 	snop;
	(pc) =	sbr.rel @p0 .LBB2_26-.Ltmp16, $1  }
0x1f7: {  	_ =	sdelay $0x3  }
0x1f8: {  	s0 =	sshll.u32 s2, $0xA  }
0x1f9: {  	s1 =	sshll.u32 s2, $0x7;
	s0 =	sand.u32 $0xFFFFE000, s0  }
0x1fa: {  	s1 =	sand.u32 $0x380, s1;
	s0 =	sadd.s32 s7, s0  }
0x1fb: {  	s0 =	sor.u32 s1, s0  }
0x1fc: {  	s0 =	sshrl.u32 s0, $0x3  }
0x1fd: {  	s0 =	sadd.s32 s24, s0  }
0x1fe: {  	[tilespmem:s17], [sflag:$0x3] =	stream.strided.gather [hbm4b:s0+s12], $0x400, s14, s12, $0x38;
	[tilespmem:$0x1D080] =	vst v63  }
0x1ff: {  	_ =	swait.ge [sflag:s13], $0x400  }
0x200: {  	[sflag:s13] =	ssyncset.done $0x0  }
0x201: {  	s29 =	simm.s32 $0x18440;
	[sflag:s13] =	ssyncadd.s32 $0xFFFFFC00  }
0x202: {  	v5 =	vld [tilespmem:s29+$0x30]  }
0x203: {  	v4 =	vld [tilespmem:s29+$0x20]  }
0x204: {  	v8 =	vld [tilespmem:s29+$0x10]  }
0x205: {  	v9 =	vld [tilespmem:s29+$0x0]  }
0x206: {  	v10 =	vld [tilespmem:s29+$0xFFFFFFF0]  }
0x207: {  	v11 =	vld [tilespmem:s29+$0xFFFFFFE0]  }
0x208: {  	s30 =	simm.s32 $0x50;
	v12 =	vld [tilespmem:s29+$0xFFFFFFC0]  }
0x209: {  	v13 =	vimm.f32 $3.000000000e+06;
	v14 =	vimm.s32 $0x0;
	s4 =	simm.s32 $0x30;
	s5 =	simm.s32 $0x40;
	s0 =	simm.s32 $0x18C40;
	v16 =	vld [tilespmem:s29+$0xFFFFFFD0]  }
0x20a: {  	s6 =	simm.s32 $0x0;
	s8 =	simm.s32 $0x10;
	s31 =	simm.s32 $0x20;
	v17 =	vor.u32 s4, v3;
	v7 =	vor.u32 s5, v3;
	v6 =	vor.u32 s30, v3;
	v15 =	vld [tilespmem:s0+$0xFFFFFFC0]  }
0x20b: {  	v18 =	vor.u32 s6, v3;
	v19 =	vor.u32 s8, v3;
	v20 =	vor.u32 s31, v3  }
0x20c: {  	v21 =	vld [tilespmem:s0+$0xFFFFFFD0];
	vm5 =	vlt.f32 v8, $0.0e+00;
	vm4 =	vlt.f32 v4, $0.0e+00;
	vm3 =	vlt.f32 v5, $0.0e+00  }
0x20d: {  	vm6 =	vlt.f32 v12, $0.0e+00;
	vm7 =	vgt.f32 v12, $0.0e+00;
	vm8 =	vlt.f32 v9, $0.0e+00  }
0x20e: {  	v12 =	vld [tilespmem:s0+$0xFFFFFFE0];
	vm9 =	vlt.f32 v10, $0.0e+00;
	vm10 =	vgt.f32 v16, $0.0e+00;
	vm6 =	vmor vm7, vm6  }
0x20f: {  	vm13 =	vgt.f32 v11, $0.0e+00;
	v15 =	vsel vm6, $0x49742400, v15;
	vm6 =	vlt.f32 v16, $0.0e+00  }
0x210: {  	vm7 =	vlt.f32 v11, $0.0e+00;
	v11 =	vld [tilespmem:s0+$0xFFFFFFF0];
	vm11 =	vlt.f32 v15, v13;
	vm6 =	vmor vm10, vm6  }
0x211: {  	vm14 =	vgt.f32 v10, $0.0e+00;
	v13 =	vsel vm11, v15, v13;
	v15 =	vsel vm6, $0x49742400, v21  }
0x212: {  	v63 =	vld [tilespmem:s0+$0x0];
	vm15 =	vgt.f32 v9, $0.0e+00;
	vm7 =	vmor vm13, vm7;
	vm6 =	vlt.f32 v15, v13  }
0x213: {  	v14 =	vsel vm11, v18, v14;
	v12 =	vsel vm7, $0x49742400, v12;
	v10 =	vsel vm6, v15, v13  }
0x214: {  	v9 =	vld [tilespmem:s0+$0x10];
	vm7 =	vmor vm14, vm9;
	v13 =	vsel vm6, v19, v14;
	vm6 =	vlt.f32 v12, v10  }
0x215: {  	vm8 =	vmor vm15, vm8;
	v11 =	vsel vm7, $0x49742400, v11;
	v12 =	vsel vm6, v12, v10  }
0x216: {  	s2 =	simm.s32 $0x70;
	v13 =	vsel vm6, v20, v13;
	vm6 =	vgt.f32 v8, $0.0e+00;
	v10 =	vld [tilespmem:s0+$0x20];
	vm7 =	vlt.f32 v11, v12  }
0x217: {  	s4 =	simm.s32 $0x0;
	s6 =	simm.s32 $0x184C0;
	s5 =	simm.s32 $0x70;
	v8 =	vld [tilespmem:s0+$0x30];
	v12 =	vsel vm7, v11, v12;
	v11 =	vsel vm7, v17, v13;
	v13 =	vsel vm8, $0x49742400, v63  }
.LBB2_24:
0x218: {  	v14 =	vld [tilespmem:s6+$0x30];
	vm7 =	vlt.f32 v13, v12;
	vm5 =	vmor vm6, vm5;
	vm6 =	vgt.f32 v4, $0.0e+00  }
0x219: {  	v4 =	vld [tilespmem:s6+$0x20];
	v12 =	vsel vm7, v13, v12;
	v7 =	vsel vm7, v7, v11;
	v9 =	vsel vm5, $0x49742400, v9  }
0x21a: {  	vm4 =	vmor vm6, vm4;
	vm6 =	vgt.f32 v5, $0.0e+00;
	v11 =	vld [tilespmem:s6+$0x10];
	vm5 =	vlt.f32 v9, v12  }
0x21b: {  	s1 =	sadd.s32 $0xFFFFFFF0, s2;
	v13 =	vld [tilespmem:s6+$0x0];
	v15 =	vsel vm5, v9, v12;
	v6 =	vsel vm5, v6, v7;
	v7 =	vsel vm4, $0x49742400, v10  }
0x21c: {  	vm3 =	vmor vm6, vm3;
	v10 =	vor.u32 s1, v3;
	v9 =	vld [tilespmem:s6+$0xFFFFFFF0];
	vm4 =	vlt.f32 v7, v15  }
0x21d: {  	s2 =	sadd.s32 $0x80, s2;
	v8 =	vsel vm3, $0x49742400, v8;
	v12 =	vld [tilespmem:s6+$0xFFFFFFE0];
	v7 =	vsel vm4, v7, v15;
	v6 =	vsel vm4, v10, v6;
	v5 =	vmovc v14  }
0x21e: {  	s4 =	sadd.s32 $0x8, s4;
	s0 =	sadd.s32 $0x80, s0;
	s1 =	sadd.s32 $0xFFFFFFE0, s2;
	v14 =	vor.u32 s5, v3;
	v10 =	vld [tilespmem:s6+$0xFFFFFFC0];
	vm3 =	vlt.f32 v8, v7  }
0x21f: {  	s8 =	sadd.s32 $0xFFFFFFD0, s2;
	p0 =	slt.u32 s4, $0x38;
	s5 =	sadd.s32 $0xFFFFFFC0, s2;
	v15 =	vld [tilespmem:s0+$0xFFFFFFC0];
	v8 =	vsel vm3, v8, v7;
	v14 =	vsel vm3, v14, v6  }
0x220: {  	s9 =	sadd.s32 $0xFFFFFF90, s2;
	s10 =	sadd.s32 $0xFFFFFFA0, s2;
	s11 =	sadd.s32 $0xFFFFFFB0, s2;
	v17 =	vor.u32 s5, v3;
	v7 =	vor.u32 s8, v3;
	v6 =	vor.u32 s1, v3;
	v16 =	vld [tilespmem:s6+$0xFFFFFFD0]  }
0x221: {  	v18 =	vor.u32 s9, v3;
	v19 =	vor.u32 s10, v3;
	v20 =	vor.u32 s11, v3;
	s5 =	smov.u32 s2  }
0x222: {  	vm4 =	vlt.f32 v4, $0.0e+00;
	vm5 =	vlt.f32 v11, $0.0e+00;
	vm3 =	vlt.f32 v5, $0.0e+00;
	v21 =	vld [tilespmem:s0+$0xFFFFFFD0]  }
0x223: {  	vm6 =	vlt.f32 v13, $0.0e+00;
	vm7 =	vlt.f32 v10, $0.0e+00;
	vm8 =	vgt.f32 v10, $0.0e+00  }
0x224: {  	vm9 =	vlt.f32 v9, $0.0e+00;
	vm7 =	vmor vm8, vm7;
	v10 =	vld [tilespmem:s0+$0xFFFFFFE0];
	vm8 =	vlt.f32 v12, $0.0e+00  }
0x225: {  	v15 =	vsel vm7, $0x49742400, v15;
	vm7 =	vlt.f32 v16, $0.0e+00;
	vm10 =	vgt.f32 v16, $0.0e+00  }
0x226: {  	vm11 =	vlt.f32 v15, v8;
	vm7 =	vmor vm10, vm7;
	vm10 =	vgt.f32 v12, $0.0e+00;
	v12 =	vld [tilespmem:s0+$0xFFFFFFF0]  }
0x227: {  	v8 =	vsel vm11, v15, v8;
	v14 =	vsel vm11, v18, v14;
	v15 =	vsel vm7, $0x49742400, v21  }
0x228: {  	vm8 =	vmor vm10, vm8;
	vm10 =	vgt.f32 v9, $0.0e+00;
	vm7 =	vlt.f32 v15, v8;
	v16 =	vld [tilespmem:s0+$0x0]  }
.Ltmp17:
0x229: {  	v8 =	vsel vm7, v15, v8;
	v14 =	vsel vm7, v19, v14;
	v10 =	vsel vm8, $0x49742400, v10;
	(pc) =	sbr.rel @p0 .LBB2_24-.Ltmp17, $4  }
0x22a: {  	vm8 =	vmor vm10, vm9;
	vm9 =	vgt.f32 v13, $0.0e+00;
	vm7 =	vlt.f32 v10, v8;
	v9 =	vld [tilespmem:s0+$0x10]  }
0x22b: {  	v8 =	vsel vm7, v10, v8;
	v13 =	vsel vm7, v20, v14;
	v12 =	vsel vm8, $0x49742400, v12  }
0x22c: {  	vm8 =	vmor vm9, vm6;
	vm6 =	vgt.f32 v11, $0.0e+00;
	vm7 =	vlt.f32 v12, v8;
	v10 =	vld [tilespmem:s0+$0x20]  }
0x22d: {  	s6 =	sadd.s32 $0x80, s6;
	v12 =	vsel vm7, v12, v8;
	v11 =	vsel vm7, v17, v13;
	v13 =	vsel vm8, $0x49742400, v16;
	v8 =	vld [tilespmem:s0+$0x30]  }
0x22e: {  	vm7 =	vlt.f32 v13, v12;
	vm5 =	vmor vm6, vm5  }
0x22f: {  	vm14 =	vgt.f32 v4, $0.0e+00;
	v4 =	vsel vm7, v13, v12;
	v9 =	vsel vm5, $0x49742400, v9  }
0x230: {  	vm4 =	vmor vm14, vm4;
	vm5 =	vlt.f32 v9, v4  }
0x231: {  	vm15 =	vgt.f32 v5, $0.0e+00;
	v4 =	vsel vm5, v9, v4;
	v5 =	vsel vm4, $0x49742400, v10  }
0x232: {  	vm3 =	vmor vm15, vm3;
	vm4 =	vlt.f32 v5, v4  }
0x233: {  	v4 =	vsel vm4, v5, v4;
	v5 =	vsel vm3, $0x49742400, v8  }
0x234: {  	vm3 =	vlt.f32 v5, v4  }
0x235: {  	v4 =	vsel vm3, v5, v4  }
0x236: {  	(xrf0) =	vmin.scan.msk.f32 $0xffff, v4;
	_ =	sdelay $0x4  }
0x237: {  	s0 =	sadd.s32 $0xFFFFFFF0, s2;
	v5 =	vsel vm7, v7, v11  }
0x238: {  	v61 =	vor.u32 s0, v3;
	v5 =	vsel vm5, v6, v5;
	v62, _, _ =	vpop (xrf0)  }
0x239: {  	v63 =	vor.u32 s5, v3;
	v5 =	vsel vm4, v61, v5;
	v7 =	vbroadcast v62, $0xF  }
0x23a: {  	v5 =	vsel vm3, v63, v5  }
0x23b: {  	vm3 =	veq.f32 v4, v7;
	v4 =	vxor.u32 $0x80000000, v5  }
0x23c: {  	v4 =	vnsel vm3, $0xC0000000, v4  }
0x23d: {  	(xrf0) =	vmin.scan.msk.u32 $0xffff, v4;
	_ =	sdelay $0x5  }
0x23e: {  	v4, _, _ =	vpop (xrf0)  }
0x23f: {  	(v2sf) =	vpush v4, $0xF;
	_ =	sdelay $0xb  }
.Ltmp18:
0x240: {  	_ = 	snop;
	(pc) =	sbr.rel .LBB2_26-.Ltmp18, $3  }
0x241: {  	_ =	sdelay $0x1  }
0x242: {  	s31 =	spop (v2sf)  }
0x243: {  	s0 =	sxor.u32 $0x80000000, s31  }
.LBB2_28:
0x244: {  	_ =	sfence.sel $0x180000  }
0x245: {  	[bflag:$0x0] =	sbarrier.arrive $0xFFFF  }
0x246: {  	_ =	strace $0x90000047  }
0x247: {  	s0 =	stileid.u32;
	[bflag:$0x2] =	sbarrier.arrive $0xFFFF  }
0x248: {  	p0 =	sne.s32 s0, $0x0;
	s0 =	rddreg [dreg:$0x3]  }
0x249: {  	s0 =	sadd.s32 @!p0 $0x100000, s0  }
0x24a: {  	[sflag:s0] =	ssyncadd.tile.s32 @!p0 $0x1;
	_ =	shalt  }
.Lfunc_end2:
_tile_overlayer_lowered:
.L_overlay_start_2:
0x24b: {  	(tag) =	ssettag $0x2  }
0x24c: {  	s0 =	rddreg [dreg:$0x0];
	s2 =	stileid.u32  }
0x24d: {  	s1 =	rddreg [dreg:$0x1];
	p0 =	sne.s32 s2, $0x0  }
0x24e: {  	s3 =	rddreg [dreg:$0x2];
	[bflag:$0x3] =	sbarrier.arrive $0xFFFF;
	s2 =	simm.s32 @!p0 $0x1C03  }
0x24f: {  	[timem:s3], [sflag:s2] =	dma.local @!p0 [hbm:s0], s1  }
0x250: {  	s0 =	simm.s32 @!p0 $0x3  }
0x251: {  	_ =	swait.ge @!p0 [sflag:s0], s1  }
0x252: {  	s1 =	ssub.s32 @!p0 $0x0, s1;
	[sflag:s0] =	ssyncset.done @!p0 $0x0  }
0x253: {  	[sflag:s0] =	ssyncadd.s32 @!p0 s1  }
0x254: {  	[bflag:$0x3] =	sbarrier.arrive $0xFFFF  }
0x255: {  	_ =	shalt  }

</sc_bundles>
